<compile_context>
chip_gen: v7x
topology: tpu7x:2x2x1
jax: 0.10.2.dev20260603
libtpu: 0.0.44.dev20260713+nightly
codegen_flags: <defaults>
</compile_context>

<pallas_src>
import functools
import math

import jax
import jax.numpy as jnp
from jax import lax
from jax.experimental import pallas as pl
from jax.experimental.pallas import tpu as pltpu
from jax.experimental.pallas import tpu_sc as plsc

B = 4096
NBR = 32
ND = 128
ED = 16
TD = 100
EMBED = 128
H = 2
QD = ND + TD
KD = ND + ED + TD
DH = QD // H

_RS = B * NBR + B
_CHUNK = 128
_NCH_S = _RS // _CHUNK
_NW = 32
_CPW = _NCH_S // _NW

BB = 128
_G = B // BB

_SCALE = 1.0 / math.sqrt(float(DH))



_NBR_CPW = (B * NBR) // _CHUNK // _NW
assert _CPW == _NBR_CPW + 1


def _gather_rows(table, idx3d):
    mesh = plsc.VectorSubcoreMesh(core_axis_name="c", subcore_axis_name="s")

    @functools.partial(
        pl.kernel,
        mesh=mesh,
        out_type=(jax.ShapeDtypeStruct((B * NBR, ND), jnp.float32),
                  jax.ShapeDtypeStruct((B, ND), jnp.float32)),
        scratch_types=[
            pltpu.VMEM((_CPW, _CHUNK), jnp.int32),
            pltpu.VMEM((_CHUNK, ND), jnp.float32),
            pltpu.VMEM((_CHUNK, ND), jnp.float32),
            pltpu.VMEM((_CHUNK, ND), jnp.float32),
            pltpu.VMEM((_CHUNK, ND), jnp.float32),
            pltpu.SemaphoreType.DMA,
            pltpu.SemaphoreType.DMA,
            pltpu.SemaphoreType.DMA,
            pltpu.SemaphoreType.DMA,
            pltpu.SemaphoreType.DMA,
            pltpu.SemaphoreType.DMA,
            pltpu.SemaphoreType.DMA,
            pltpu.SemaphoreType.DMA,
        ],
    )
    def k(table_hbm, idx_hbm, nbr_hbm, node_hbm, idx_v,
          b0, b1, b2, b3, g0, g1, g2, g3, w0, w1, w2, w3):
        bufs = (b0, b1, b2, b3)
        gsems = (g0, g1, g2, g3)
        wsems = (w0, w1, w2, w3)
        wid = lax.axis_index("s") * 2 + lax.axis_index("c")
        pltpu.sync_copy(idx_hbm.at[wid], idx_v)

        def start_gather(j, b):
            pltpu.make_async_copy(table_hbm.at[idx_v.at[j]], bufs[b],
                                  gsems[b]).start()

        def wait_gather(j, b):
            pltpu.make_async_copy(table_hbm.at[idx_v.at[j]], bufs[b],
                                  gsems[b]).wait()

        def start_write(j, b):
            @pl.when(j < _NBR_CPW)
            def _():
                pltpu.make_async_copy(
                    bufs[b],
                    nbr_hbm.at[pl.ds((wid * _NBR_CPW + j) * _CHUNK, _CHUNK)],
                    wsems[b]).start()

            @pl.when(j == _NBR_CPW)
            def _():
                pltpu.make_async_copy(
                    bufs[b], node_hbm.at[pl.ds(wid * _CHUNK, _CHUNK)],
                    wsems[b]).start()

        def drain_write(b):
            pltpu.make_async_copy(
                bufs[b], nbr_hbm.at[pl.ds(0, _CHUNK)], wsems[b]).wait()

        def unit(j, b):
            wait_gather(j, b)
            start_write(j, b)
            nb = (b + 2) % 4

            @pl.when((j + 2 < _CPW) & (j >= 2))
            def _():
                drain_write(nb)

            @pl.when(j + 2 < _CPW)
            def _():
                start_gather(j + 2, nb)

        start_gather(0, 0)
        start_gather(1, 1)

        def body(g, carry):
            j0 = 4 * g
            for b in range(4):
                unit(j0 + b, b)
            return carry

        lax.fori_loop(0, (_CPW - 1) // 4, body, 0)
        for j in range(_CPW - 1 - (_CPW - 1) % 4, _CPW):
            unit(j, j % 4)
        for b in range(4):
            drain_write(b)

    return k(table, idx3d)



def _dot(a, b):
    return lax.dot_general(a, b, (((1,), (0,)), ((), ())),
                           preferred_element_type=jnp.float32)


_TWO_PI = 6.283185307179586
_INV_2PI = 1.0 / _TWO_PI
_COS_C = (-2.2063688697696682e-07, 2.4226569073610363e-05,
          -0.0013860990081225792, 0.04166064716416637,
          -0.4999955256402951, 0.9999996603166155)


def _cos_poly(x):
    n = jnp.round(x * _INV_2PI)
    t = x - n * _TWO_PI
    u = t * t
    p = jnp.float32(_COS_C[0])
    for c in _COS_C[1:]:
        p = p * u + jnp.float32(c)
    return p


def _tc_body(node_ref, nbr_ref, dt_ref, ids_ref, ef_ref, tw_ref, tb_ref,
             wqn_ref, wqt_ref, wkn_ref, wke_ref, wkt_ref,
             wvn_ref, wve_ref, wvt_ref, wo_ref,
             f1a_ref, f1n_ref, b1_ref, f2_ref, b2_ref, out_ref):
    node = node_ref[...]
    nbr = nbr_ref[...].reshape(BB * NBR, ND)
    ef = ef_ref[...].reshape(BB * NBR, ED)
    tw = tw_ref[...]
    tb = tb_ref[...]

    tfeat3 = _cos_poly(dt_ref[...] * tw + tb)
    tfeat = tfeat3.reshape(BB * NBR, TD)
    q_time = jnp.cos(tb).reshape(1, TD)

    bf = jnp.bfloat16
    nbr16 = nbr.astype(bf)
    ef16 = ef.astype(bf)
    tf16 = tfeat.astype(bf)
    Q = _dot(node, wqn_ref[...]) + _dot(q_time, wqt_ref[...])
    K = (_dot(nbr16, wkn_ref[...]) + _dot(ef16, wke_ref[...])
         + _dot(tf16, wkt_ref[...]))
    V = (_dot(nbr16, wvn_ref[...]) + _dot(ef16, wve_ref[...])
         + _dot(tf16, wvt_ref[...]))

    K3 = K.reshape(BB, NBR, QD)
    P16 = (Q[:, None, :] * K3).astype(bf).reshape(BB * NBR, QD)
    row = lax.broadcasted_iota(jnp.int32, (QD, QD), 0)
    col = lax.broadcasted_iota(jnp.int32, (QD, QD), 1)
    w_sel = ((row < DH) == (col < DH)).astype(bf)
    S3 = _dot(P16, w_sel).reshape(BB, NBR, QD)

    pad = (ids_ref[...] == 0).astype(jnp.float32) * 1e9
    S3 = S3 * _SCALE - pad

    m = jnp.max(S3, axis=1, keepdims=True)
    e = jnp.exp(S3 - m)
    denom = jnp.sum(e, axis=1)
    attn = jnp.sum(e * V.reshape(BB, NBR, QD), axis=1) / denom

    out = _dot(attn, wo_ref[...])
    h = jnp.maximum(_dot(out, f1a_ref[...]) + _dot(node, f1n_ref[...])
                    + b1_ref[...], 0.0)
    out_ref[...] = _dot(h, f2_ref[...]) + b2_ref[...]


def _full_spec(shape):
    n = len(shape)
    return pl.BlockSpec(shape, lambda i, _n=n: (0,) * _n)


def _tc_grid_spec():
    in_specs = [
        pl.BlockSpec((BB, ND), lambda i: (i, 0)),
        pl.BlockSpec((BB, NBR, ND), lambda i: (i, 0, 0)),
        pl.BlockSpec((BB, NBR, 1), lambda i: (i, 0, 0)),
        pl.BlockSpec((BB, NBR, 1), lambda i: (i, 0, 0)),
        pl.BlockSpec((BB, NBR, ED), lambda i: (i, 0, 0)),
        _full_spec((1, 1, TD)),
        _full_spec((1, 1, TD)),
        _full_spec((ND, QD)),
        _full_spec((TD, QD)),
        _full_spec((ND, QD)),
        _full_spec((ED, QD)),
        _full_spec((TD, QD)),
        _full_spec((ND, QD)),
        _full_spec((ED, QD)),
        _full_spec((TD, QD)),
        _full_spec((QD, QD)),
        _full_spec((QD, EMBED)),
        _full_spec((ND, EMBED)),
        _full_spec((1, EMBED)),
        _full_spec((EMBED, EMBED)),
        _full_spec((1, EMBED)),
    ]
    out_specs = pl.BlockSpec((BB, EMBED), lambda i: (i, 0))
    out_shape = jax.ShapeDtypeStruct((B, EMBED), jnp.float32)
    return (_G,), in_specs, out_specs, out_shape


def _gather_ids(node_ids, nbr_nids_side):
    nbr2 = nbr_nids_side.reshape(_NW, _NBR_CPW * _CHUNK)
    node2 = node_ids.reshape(_NW, _CHUNK)
    return jnp.concatenate([nbr2, node2], axis=1).astype(jnp.int32) \
              .reshape(_NW, _CPW, _CHUNK)


def _tc_inputs(nbr_rows, node_rows, interact_times, nbr_nids_s, nbr_times_s,
               nbr_feats_s, time_w, time_b, Wq, Wk, Wv, Wo,
               fc1_w, fc1_b, fc2_w, fc2_b):
    nbr_feat = nbr_rows.reshape(B, NBR, ND)
    node_raw = node_rows
    dt = (interact_times[:, None] - nbr_times_s)[:, :, None]
    return (
        node_raw, nbr_feat, dt, nbr_nids_s[:, :, None], nbr_feats_s,
        time_w.reshape(1, 1, TD), time_b.reshape(1, 1, TD),
        Wq[:ND], Wq[ND:],
        Wk[:ND].astype(jnp.bfloat16), Wk[ND:ND + ED].astype(jnp.bfloat16),
        Wk[ND + ED:].astype(jnp.bfloat16),
        Wv[:ND].astype(jnp.bfloat16), Wv[ND:ND + ED].astype(jnp.bfloat16),
        Wv[ND + ED:].astype(jnp.bfloat16),
        Wo,
        fc1_w[:QD], fc1_w[QD:], fc1_b.reshape(1, EMBED),
        fc2_w, fc2_b.reshape(1, EMBED),
    )


def kernel(src_ids, dst_ids, interact_times, static_node_feats, nbr_nids,
           nbr_times, nbr_feats, time_w, time_b, Wq, Wk, Wv, Wo,
           fc1_w, fc1_b, fc2_w, fc2_b):
    grid, in_specs, out_specs, out_shape = _tc_grid_spec()
    tc_call = pl.pallas_call(
        _tc_body,
        grid=grid,
        in_specs=in_specs,
        out_specs=out_specs,
        out_shape=out_shape,
    )
    zs = []
    for node_ids, lo in ((src_ids, 0), (dst_ids, B)):
        ids_side = _gather_ids(node_ids, nbr_nids[lo:lo + B])
        nbr_rows, node_rows = _gather_rows(static_node_feats, ids_side)
        ops = _tc_inputs(nbr_rows, node_rows, interact_times,
                         nbr_nids[lo:lo + B], nbr_times[lo:lo + B],
                         nbr_feats[lo:lo + B], time_w, time_b,
                         Wq, Wk, Wv, Wo, fc1_w, fc1_b, fc2_w, fc2_b)
        zs.append(ops)
    z_out = [tc_call(*ops) for ops in zs]
    return z_out[0], z_out[1]

# --- scband reference (transcript-rebuilt; emitter-appended) ---
"""Pipeline reference for scband-tgat-79980880986756 (READ-ONLY COPY).

The authoritative reference and input builder live on the scoring server;
editing this copy changes nothing except your own understanding.
"""

import jax, jax.numpy as jnp
import numpy as np

B = 4096
NBR = 32
NODE_DIM = 128
EDGE_DIM = 16
TIME_DIM = 100
EMBED_DIM = 128
H = 2
N_NODES = 100000
QD = NODE_DIM + TIME_DIM
KD = NODE_DIM + EDGE_DIM + TIME_DIM


def setup_inputs(seed: int = 0):
    key = jax.random.key(seed)
    ks = jax.random.split(key, 20)
    inp = {}
    inp['src_ids'] = jax.random.randint(ks[0], (B,), 0, N_NODES)
    inp['dst_ids'] = jax.random.randint(ks[1], (B,), 0, N_NODES)
    inp['interact_times'] = jax.random.uniform(ks[2], (B,), dtype=jnp.float32) * 1000.0
    inp['static_node_feats'] = jax.random.normal(ks[3], (N_NODES, NODE_DIM), dtype=jnp.float32)
    inp['nbr_nids'] = jax.random.randint(ks[4], (3 * B, NBR), 0, N_NODES)
    inp['nbr_times'] = jax.random.uniform(ks[5], (3 * B, NBR), dtype=jnp.float32) * 1000.0
    inp['nbr_feats'] = jax.random.normal(ks[6], (3 * B, NBR, EDGE_DIM), dtype=jnp.float32)
    # Time2Vec params
    inp['time_w'] = jax.random.normal(ks[7], (TIME_DIM,), dtype=jnp.float32) * 0.05
    inp['time_b'] = jax.random.normal(ks[8], (TIME_DIM,), dtype=jnp.float32) * 0.05
    # TemporalAttention params (layer 0)
    inp['Wq'] = jax.random.normal(ks[9], (QD, QD), dtype=jnp.float32) * (1.0 / np.sqrt(QD))
    inp['Wk'] = jax.random.normal(ks[10], (KD, QD), dtype=jnp.float32) * (1.0 / np.sqrt(KD))
    inp['Wv'] = jax.random.normal(ks[11], (KD, QD), dtype=jnp.float32) * (1.0 / np.sqrt(KD))
    inp['Wo'] = jax.random.normal(ks[12], (QD, QD), dtype=jnp.float32) * (1.0 / np.sqrt(QD))
    # MergeLayer params
    inp['fc1_w'] = jax.random.normal(ks[13], (QD + NODE_DIM, EMBED_DIM), dtype=jnp.float32) * (1.0 / np.sqrt(QD + NODE_DIM))
    inp['fc1_b'] = jnp.zeros((EMBED_DIM,), dtype=jnp.float32)
    inp['fc2_w'] = jax.random.normal(ks[14], (EMBED_DIM, EMBED_DIM), dtype=jnp.float32) * (1.0 / np.sqrt(EMBED_DIM))
    inp['fc2_b'] = jnp.zeros((EMBED_DIM,), dtype=jnp.float32)
    return inp


def _time_encode(t, w, b):
    return jnp.cos(t[..., None] * w + b)


def reference(src_ids, dst_ids, interact_times, static_node_feats, nbr_nids, nbr_times, nbr_feats, time_w, time_b, Wq, Wk, Wv, Wo, fc1_w, fc1_b, fc2_w, fc2_b):
    flat_nids = nbr_nids.reshape(-1)
    flat_times = nbr_times.reshape(-1)
    flat_efeat = nbr_feats.reshape(-1, EDGE_DIM)
    bsize = B * NBR  # training mode: nbr_nids.shape[0] // 3
    dh = QD // H

    def one_side(node_ids, node_times, idx):
        nn_ids = flat_nids[idx * bsize:(idx + 1) * bsize].reshape(B, NBR)
        nn_times = flat_times[idx * bsize:(idx + 1) * bsize].reshape(B, NBR)
        nn_efeat = flat_efeat[idx * bsize:(idx + 1) * bsize].reshape(B, NBR, EDGE_DIM)
        # hop-0 embeddings are raw static features (gather)
        node_raw = jnp.take(static_node_feats, node_ids, axis=0)
        node_feat = node_raw
        node_time_feat = _time_encode(jnp.zeros((B,), dtype=jnp.float32), time_w, time_b)
        nbr_feat = jnp.take(static_node_feats, nn_ids.reshape(-1), axis=0).reshape(B, NBR, NODE_DIM)
        delta_time = node_times[:, None] - nn_times
        nbr_time_feat = _time_encode(delta_time, time_w, time_b)
        # temporal multi-head attention: query=[node_feat||node_time_feat], key/value=[nbr_feat||edge_feat||nbr_time_feat]
        q_in = jnp.concatenate([node_feat, node_time_feat], axis=-1)
        k_in = jnp.concatenate([nbr_feat, nn_efeat, nbr_time_feat], axis=-1)
        Q = (q_in @ Wq).reshape(B, H, dh)
        K = (k_in @ Wk).reshape(B, NBR, H, dh)
        V = (k_in @ Wv).reshape(B, NBR, H, dh)
        scores = jnp.einsum('bhd,bnhd->bhn', Q, K) / jnp.sqrt(jnp.float32(dh))
        pad_mask = (nn_ids == 0)
        scores = scores - 1e9 * pad_mask[:, None, :].astype(scores.dtype)
        attn = jax.nn.softmax(scores, axis=-1)
        out = jnp.einsum('bhn,bnhd->bhd', attn, V).reshape(B, QD) @ Wo
        # MergeLayer
        merged = jnp.concatenate([out, node_raw], axis=-1)
        h = jax.nn.relu(merged @ fc1_w + fc1_b)
        return h @ fc2_w + fc2_b

    z_src = one_side(src_ids, interact_times, 0)
    z_dst = one_side(dst_ids, interact_times, 1)
    return (z_src, z_dst)

if __name__ == "__main__":
    import jax
    _d = setup_inputs()
    print(jax.jit(kernel)(*tuple(_d.values())))

</pallas_src>

<mosaic_0001>
#map = affine_map<(d0, d1) -> (0, 0)>
#map1 = affine_map<(d0, d1) -> (0, 0, 0)>
module attributes {stable_mosaic.version = 14 : i64} {
  func.func @k(%arg0: i32, %arg1: i32, %arg2: memref<100000x128xf32, #tpu.memory_space<hbm>>, %arg3: memref<32x33x128xi32, #tpu.memory_space<hbm>>, %arg4: memref<131072x128xf32, #tpu.memory_space<hbm>>, %arg5: memref<4096x128xf32, #tpu.memory_space<hbm>>, %arg6: memref<33x128xi32, #tpu.memory_space<vmem>>, %arg7: memref<128x128xf32, #tpu.memory_space<vmem>>, %arg8: memref<128x128xf32, #tpu.memory_space<vmem>>, %arg9: memref<128x128xf32, #tpu.memory_space<vmem>>, %arg10: memref<128x128xf32, #tpu.memory_space<vmem>>, %arg11: memref<!tpu.dma_semaphore, #tpu.memory_space<semaphore_mem>>, %arg12: memref<!tpu.dma_semaphore, #tpu.memory_space<semaphore_mem>>, %arg13: memref<!tpu.dma_semaphore, #tpu.memory_space<semaphore_mem>>, %arg14: memref<!tpu.dma_semaphore, #tpu.memory_space<semaphore_mem>>, %arg15: memref<!tpu.dma_semaphore, #tpu.memory_space<semaphore_mem>>, %arg16: memref<!tpu.dma_semaphore, #tpu.memory_space<semaphore_mem>>, %arg17: memref<!tpu.dma_semaphore, #tpu.memory_space<semaphore_mem>>, %arg18: memref<!tpu.dma_semaphore, #tpu.memory_space<semaphore_mem>>) attributes {dimension_semantics = [#tpu.dimension_semantics<core_parallel>, #tpu.dimension_semantics<subcore_parallel>], iteration_bounds = array<i64: 2, 16>, scalar_prefetch = 0 : i64, scratch_operands = 13 : i64, tpu.core_type = #tpu.core_type<sc_vector_subcore>, window_params = [{transform_indices = #map}, {transform_indices = #map1}, {transform_indices = #map}, {transform_indices = #map}]} {
    %mul3A = arith.constant 2 : i32
    %mul3A_0 = arith.muli %arg1, %mul3A : i32
    %add3A = arith.addi %mul3A_0, %arg0 : i32
    "tpu.region"() ({
      %run_scoped3A = tpu.sem_alloc : memref<!tpu.dma_semaphore, #tpu.memory_space<semaphore_mem>>
      %dma_start3A_55 = arith.constant 0 : i32
      %dma_start3A_56 = arith.constant 0 : i32
      %dma_start3A_57 = tpu.memref_slice %arg3[%add3A, %dma_start3A_55, %dma_start3A_56] : memref<32x33x128xi32, #tpu.memory_space<hbm>> -> memref<1x33x128xi32, #tpu.memory_space<hbm>>
      %dma_start3A_58 = tpu.memref_squeeze %dma_start3A_57 : memref<1x33x128xi32, #tpu.memory_space<hbm>> -> memref<33x128xi32, #tpu.memory_space<hbm>>
      %dma_start3A_59 = arith.constant 0 : i32
      %dma_start3A_60 = arith.constant 0 : i32
      %dma_start3A_61 = tpu.memref_slice %arg3[%add3A, %dma_start3A_59, %dma_start3A_60] : memref<32x33x128xi32, #tpu.memory_space<hbm>> -> memref<1x33x128xi32, #tpu.memory_space<hbm>>
      %dma_start3A_62 = tpu.memref_squeeze %dma_start3A_61 : memref<1x33x128xi32, #tpu.memory_space<hbm>> -> memref<33x128xi32, #tpu.memory_space<hbm>>
      tpu.enqueue_dma source(%dma_start3A_62 : memref<33x128xi32, #tpu.memory_space<hbm>>) target(%arg6 : memref<33x128xi32, #tpu.memory_space<vmem>>) target_semaphore(%run_scoped3A : memref<!tpu.dma_semaphore, #tpu.memory_space<semaphore_mem>>)
      %dma_wait3A_63 = arith.constant 0 : i32
      %dma_wait3A_64 = arith.constant 0 : i32
      %dma_wait3A_65 = tpu.memref_slice %arg3[%add3A, %dma_wait3A_63, %dma_wait3A_64] : memref<32x33x128xi32, #tpu.memory_space<hbm>> -> memref<1x33x128xi32, #tpu.memory_space<hbm>>
      %dma_wait3A_66 = tpu.memref_squeeze %dma_wait3A_65 : memref<1x33x128xi32, #tpu.memory_space<hbm>> -> memref<33x128xi32, #tpu.memory_space<hbm>>
      %dma_wait3A_67 = arith.constant 0 : i32
      %dma_wait3A_68 = arith.constant 0 : i32
      %dma_wait3A_69 = tpu.memref_slice %arg3[%add3A, %dma_wait3A_67, %dma_wait3A_68] : memref<32x33x128xi32, #tpu.memory_space<hbm>> -> memref<1x33x128xi32, #tpu.memory_space<hbm>>
      %dma_wait3A_70 = tpu.memref_squeeze %dma_wait3A_69 : memref<1x33x128xi32, #tpu.memory_space<hbm>> -> memref<33x128xi32, #tpu.memory_space<hbm>>
      tpu.wait_dma2 semaphore(%run_scoped3A : memref<!tpu.dma_semaphore, #tpu.memory_space<semaphore_mem>>) src(%dma_wait3A_70 : memref<33x128xi32, #tpu.memory_space<hbm>>) dst(%arg6 : memref<33x128xi32, #tpu.memory_space<vmem>>)
      tpu.yield
    }) : () -> ()
    %dma_start3A = arith.constant 0 : i32
    %dma_start3A_1 = arith.constant 0 : i32
    %dma_start3A_2 = tpu.memref_slice %arg6[%dma_start3A, %dma_start3A_1] : memref<33x128xi32, #tpu.memory_space<vmem>> -> memref<1x128xi32, #tpu.memory_space<vmem>>
    %dma_start3A_3 = tpu.memref_squeeze %dma_start3A_2 : memref<1x128xi32, #tpu.memory_space<vmem>> -> memref<128xi32, #tpu.memory_space<vmem>>
    %dma_start3A_4 = arith.constant 0 : i32
    %dma_start3A_5 = arith.constant 0 : i32
    %dma_start3A_6 = tpu.memref_slice %arg2[%dma_start3A_4, %dma_start3A_5] : memref<100000x128xf32, #tpu.memory_space<hbm>> -> memref<100000x128xf32, #tpu.memory_space<hbm>>
    tpu.enqueue_indirect_dma source(%dma_start3A_6 : memref<100000x128xf32, #tpu.memory_space<hbm>>) target(%arg7 : memref<128x128xf32, #tpu.memory_space<vmem>>) offsets(%dma_start3A_3 : memref<128xi32, #tpu.memory_space<vmem>>) semaphore(%arg11 : memref<!tpu.dma_semaphore, #tpu.memory_space<semaphore_mem>>)
    %dma_start3A_7 = arith.constant 1 : i32
    %dma_start3A_8 = arith.constant 0 : i32
    %dma_start3A_9 = tpu.memref_slice %arg6[%dma_start3A_7, %dma_start3A_8] : memref<33x128xi32, #tpu.memory_space<vmem>> -> memref<1x128xi32, #tpu.memory_space<vmem>>
    %dma_start3A_10 = tpu.memref_squeeze %dma_start3A_9 : memref<1x128xi32, #tpu.memory_space<vmem>> -> memref<128xi32, #tpu.memory_space<vmem>>
    %dma_start3A_11 = arith.constant 0 : i32
    %dma_start3A_12 = arith.constant 0 : i32
    %dma_start3A_13 = tpu.memref_slice %arg2[%dma_start3A_11, %dma_start3A_12] : memref<100000x128xf32, #tpu.memory_space<hbm>> -> memref<100000x128xf32, #tpu.memory_space<hbm>>
    tpu.enqueue_indirect_dma source(%dma_start3A_13 : memref<100000x128xf32, #tpu.memory_space<hbm>>) target(%arg8 : memref<128x128xf32, #tpu.memory_space<vmem>>) offsets(%dma_start3A_10 : memref<128xi32, #tpu.memory_space<vmem>>) semaphore(%arg12 : memref<!tpu.dma_semaphore, #tpu.memory_space<semaphore_mem>>)
    %scan3A = arith.constant 0 : i32
    %scan3A_14 = arith.constant 0 : i32
    %scan3A_15 = arith.constant 8 : i32
    %scan3A_16 = arith.addi %scan3A_14, %scan3A_15 : i32
    %scan3A_17 = arith.constant 1 : i32
    scf.for %scan3A_55 = %scan3A_14 to %scan3A_16 step %scan3A_17  : i32 {
      %mul3A_56 = arith.constant 4 : i32
      %mul3A_57 = arith.muli %mul3A_56, %scan3A_55 : i32
      %add3A_58 = arith.constant 0 : i32
      %add3A_59 = arith.addi %mul3A_57, %add3A_58 : i32
      %dma_wait3A_60 = arith.constant 0 : i32
      %dma_wait3A_61 = tpu.memref_slice %arg6[%add3A_59, %dma_wait3A_60] : memref<33x128xi32, #tpu.memory_space<vmem>> -> memref<1x128xi32, #tpu.memory_space<vmem>>
      %dma_wait3A_62 = tpu.memref_squeeze %dma_wait3A_61 : memref<1x128xi32, #tpu.memory_space<vmem>> -> memref<128xi32, #tpu.memory_space<vmem>>
      %dma_wait3A_63 = arith.constant 0 : i32
      %dma_wait3A_64 = arith.constant 0 : i32
      %dma_wait3A_65 = tpu.memref_slice %arg2[%dma_wait3A_63, %dma_wait3A_64] : memref<100000x128xf32, #tpu.memory_space<hbm>> -> memref<100000x128xf32, #tpu.memory_space<hbm>>
      tpu.wait_indirect_dma semaphore(%arg11 : memref<!tpu.dma_semaphore, #tpu.memory_space<semaphore_mem>>) src(%dma_wait3A_65 : memref<100000x128xf32, #tpu.memory_space<hbm>>) dst(%arg7 : memref<128x128xf32, #tpu.memory_space<vmem>>)
      %lt3A = arith.constant 32 : i32
      %lt3A_66 = arith.cmpi slt, %add3A_59, %lt3A : i32
      %convert_element_type3A = arith.extui %lt3A_66 : i1 to i32
      %cond3A = arith.constant 0 : i32
      %cond3A_67 = arith.cmpi ne, %convert_element_type3A, %cond3A : i32
      scf.if %cond3A_67 {
        %mul3A_192 = arith.constant 32 : i32
        %mul3A_193 = arith.muli %add3A, %mul3A_192 : i32
        %add3A_194 = arith.addi %mul3A_193, %add3A_59 : i32
        %mul3A_195 = arith.constant 128 : i32
        %mul3A_196 = arith.muli %add3A_194, %mul3A_195 : i32
        %dma_start3A_197 = arith.constant 0 : i32
        %dma_start3A_198 = tpu.memref_slice %arg4[%mul3A_196, %dma_start3A_197] : memref<131072x128xf32, #tpu.memory_space<hbm>> -> memref<128x128xf32, #tpu.memory_space<hbm>>
        %dma_start3A_199 = arith.constant 0 : i32
        %dma_start3A_200 = tpu.memref_slice %arg4[%mul3A_196, %dma_start3A_199] : memref<131072x128xf32, #tpu.memory_space<hbm>> -> memref<128x128xf32, #tpu.memory_space<hbm>>
        tpu.enqueue_dma source(%arg7 : memref<128x128xf32, #tpu.memory_space<vmem>>) target(%dma_start3A_200 : memref<128x128xf32, #tpu.memory_space<hbm>>) target_semaphore(%arg15 : memref<!tpu.dma_semaphore, #tpu.memory_space<semaphore_mem>>)
      } else {
      }
      %eq3A = arith.constant 32 : i32
      %eq3A_68 = arith.cmpi eq, %add3A_59, %eq3A : i32
      %convert_element_type3A_69 = arith.extui %eq3A_68 : i1 to i32
      %cond3A_70 = arith.constant 0 : i32
      %cond3A_71 = arith.cmpi ne, %convert_element_type3A_69, %cond3A_70 : i32
      scf.if %cond3A_71 {
        %mul3A_192 = arith.constant 128 : i32
        %mul3A_193 = arith.muli %add3A, %mul3A_192 : i32
        %dma_start3A_194 = arith.constant 0 : i32
        %dma_start3A_195 = tpu.memref_slice %arg5[%mul3A_193, %dma_start3A_194] : memref<4096x128xf32, #tpu.memory_space<hbm>> -> memref<128x128xf32, #tpu.memory_space<hbm>>
        %dma_start3A_196 = arith.constant 0 : i32
        %dma_start3A_197 = tpu.memref_slice %arg5[%mul3A_193, %dma_start3A_196] : memref<4096x128xf32, #tpu.memory_space<hbm>> -> memref<128x128xf32, #tpu.memory_space<hbm>>
        tpu.enqueue_dma source(%arg7 : memref<128x128xf32, #tpu.memory_space<vmem>>) target(%dma_start3A_197 : memref<128x128xf32, #tpu.memory_space<hbm>>) target_semaphore(%arg15 : memref<!tpu.dma_semaphore, #tpu.memory_space<semaphore_mem>>)
      } else {
      }
      %add3A_72 = arith.constant 2 : i32
      %add3A_73 = arith.addi %add3A_59, %add3A_72 : i32
      %lt3A_74 = arith.constant 33 : i32
      %lt3A_75 = arith.cmpi slt, %add3A_73, %lt3A_74 : i32
      %ge3A = arith.constant 2 : i32
      %ge3A_76 = arith.cmpi sge, %add3A_59, %ge3A : i32
      %and3A = arith.andi %lt3A_75, %ge3A_76 : i1
      %convert_element_type3A_77 = arith.extui %and3A : i1 to i32
      %cond3A_78 = arith.constant 0 : i32
      %cond3A_79 = arith.cmpi ne, %convert_element_type3A_77, %cond3A_78 : i32
      scf.if %cond3A_79 {
        %dma_wait3A_192 = arith.constant 0 : i32
        %dma_wait3A_193 = arith.constant 0 : i32
        %dma_wait3A_194 = tpu.memref_slice %arg4[%dma_wait3A_192, %dma_wait3A_193] : memref<131072x128xf32, #tpu.memory_space<hbm>> -> memref<128x128xf32, #tpu.memory_space<hbm>>
        %dma_wait3A_195 = arith.constant 0 : i32
        %dma_wait3A_196 = arith.constant 0 : i32
        %dma_wait3A_197 = tpu.memref_slice %arg4[%dma_wait3A_195, %dma_wait3A_196] : memref<131072x128xf32, #tpu.memory_space<hbm>> -> memref<128x128xf32, #tpu.memory_space<hbm>>
        tpu.wait_dma2 semaphore(%arg17 : memref<!tpu.dma_semaphore, #tpu.memory_space<semaphore_mem>>) src(%arg9 : memref<128x128xf32, #tpu.memory_space<vmem>>) dst(%dma_wait3A_197 : memref<128x128xf32, #tpu.memory_space<hbm>>)
      } else {
      }
      %add3A_80 = arith.constant 2 : i32
      %add3A_81 = arith.addi %add3A_59, %add3A_80 : i32
      %lt3A_82 = arith.constant 33 : i32
      %lt3A_83 = arith.cmpi slt, %add3A_81, %lt3A_82 : i32
      %convert_element_type3A_84 = arith.extui %lt3A_83 : i1 to i32
      %cond3A_85 = arith.constant 0 : i32
      %cond3A_86 = arith.cmpi ne, %convert_element_type3A_84, %cond3A_85 : i32
      scf.if %cond3A_86 {
        %add3A_192 = arith.constant 2 : i32
        %add3A_193 = arith.addi %add3A_59, %add3A_192 : i32
        %dma_start3A_194 = arith.constant 0 : i32
        %dma_start3A_195 = tpu.memref_slice %arg6[%add3A_193, %dma_start3A_194] : memref<33x128xi32, #tpu.memory_space<vmem>> -> memref<1x128xi32, #tpu.memory_space<vmem>>
        %dma_start3A_196 = tpu.memref_squeeze %dma_start3A_195 : memref<1x128xi32, #tpu.memory_space<vmem>> -> memref<128xi32, #tpu.memory_space<vmem>>
        %dma_start3A_197 = arith.constant 0 : i32
        %dma_start3A_198 = arith.constant 0 : i32
        %dma_start3A_199 = tpu.memref_slice %arg2[%dma_start3A_197, %dma_start3A_198] : memref<100000x128xf32, #tpu.memory_space<hbm>> -> memref<100000x128xf32, #tpu.memory_space<hbm>>
        tpu.enqueue_indirect_dma source(%dma_start3A_199 : memref<100000x128xf32, #tpu.memory_space<hbm>>) target(%arg9 : memref<128x128xf32, #tpu.memory_space<vmem>>) offsets(%dma_start3A_196 : memref<128xi32, #tpu.memory_space<vmem>>) semaphore(%arg13 : memref<!tpu.dma_semaphore, #tpu.memory_space<semaphore_mem>>)
      } else {
      }
      %add3A_87 = arith.constant 1 : i32
      %add3A_88 = arith.addi %mul3A_57, %add3A_87 : i32
      %dma_wait3A_89 = arith.constant 0 : i32
      %dma_wait3A_90 = tpu.memref_slice %arg6[%add3A_88, %dma_wait3A_89] : memref<33x128xi32, #tpu.memory_space<vmem>> -> memref<1x128xi32, #tpu.memory_space<vmem>>
      %dma_wait3A_91 = tpu.memref_squeeze %dma_wait3A_90 : memref<1x128xi32, #tpu.memory_space<vmem>> -> memref<128xi32, #tpu.memory_space<vmem>>
      %dma_wait3A_92 = arith.constant 0 : i32
      %dma_wait3A_93 = arith.constant 0 : i32
      %dma_wait3A_94 = tpu.memref_slice %arg2[%dma_wait3A_92, %dma_wait3A_93] : memref<100000x128xf32, #tpu.memory_space<hbm>> -> memref<100000x128xf32, #tpu.memory_space<hbm>>
      tpu.wait_indirect_dma semaphore(%arg12 : memref<!tpu.dma_semaphore, #tpu.memory_space<semaphore_mem>>) src(%dma_wait3A_94 : memref<100000x128xf32, #tpu.memory_space<hbm>>) dst(%arg8 : memref<128x128xf32, #tpu.memory_space<vmem>>)
      %lt3A_95 = arith.constant 32 : i32
      %lt3A_96 = arith.cmpi slt, %add3A_88, %lt3A_95 : i32
      %convert_element_type3A_97 = arith.extui %lt3A_96 : i1 to i32
      %cond3A_98 = arith.constant 0 : i32
      %cond3A_99 = arith.cmpi ne, %convert_element_type3A_97, %cond3A_98 : i32
      scf.if %cond3A_99 {
        %mul3A_192 = arith.constant 32 : i32
        %mul3A_193 = arith.muli %add3A, %mul3A_192 : i32
        %add3A_194 = arith.addi %mul3A_193, %add3A_88 : i32
        %mul3A_195 = arith.constant 128 : i32
        %mul3A_196 = arith.muli %add3A_194, %mul3A_195 : i32
        %dma_start3A_197 = arith.constant 0 : i32
        %dma_start3A_198 = tpu.memref_slice %arg4[%mul3A_196, %dma_start3A_197] : memref<131072x128xf32, #tpu.memory_space<hbm>> -> memref<128x128xf32, #tpu.memory_space<hbm>>
        %dma_start3A_199 = arith.constant 0 : i32
        %dma_start3A_200 = tpu.memref_slice %arg4[%mul3A_196, %dma_start3A_199] : memref<131072x128xf32, #tpu.memory_space<hbm>> -> memref<128x128xf32, #tpu.memory_space<hbm>>
        tpu.enqueue_dma source(%arg8 : memref<128x128xf32, #tpu.memory_space<vmem>>) target(%dma_start3A_200 : memref<128x128xf32, #tpu.memory_space<hbm>>) target_semaphore(%arg16 : memref<!tpu.dma_semaphore, #tpu.memory_space<semaphore_mem>>)
      } else {
      }
      %eq3A_100 = arith.constant 32 : i32
      %eq3A_101 = arith.cmpi eq, %add3A_88, %eq3A_100 : i32
      %convert_element_type3A_102 = arith.extui %eq3A_101 : i1 to i32
      %cond3A_103 = arith.constant 0 : i32
      %cond3A_104 = arith.cmpi ne, %convert_element_type3A_102, %cond3A_103 : i32
      scf.if %cond3A_104 {
        %mul3A_192 = arith.constant 128 : i32
        %mul3A_193 = arith.muli %add3A, %mul3A_192 : i32
        %dma_start3A_194 = arith.constant 0 : i32
        %dma_start3A_195 = tpu.memref_slice %arg5[%mul3A_193, %dma_start3A_194] : memref<4096x128xf32, #tpu.memory_space<hbm>> -> memref<128x128xf32, #tpu.memory_space<hbm>>
        %dma_start3A_196 = arith.constant 0 : i32
        %dma_start3A_197 = tpu.memref_slice %arg5[%mul3A_193, %dma_start3A_196] : memref<4096x128xf32, #tpu.memory_space<hbm>> -> memref<128x128xf32, #tpu.memory_space<hbm>>
        tpu.enqueue_dma source(%arg8 : memref<128x128xf32, #tpu.memory_space<vmem>>) target(%dma_start3A_197 : memref<128x128xf32, #tpu.memory_space<hbm>>) target_semaphore(%arg16 : memref<!tpu.dma_semaphore, #tpu.memory_space<semaphore_mem>>)
      } else {
      }
      %add3A_105 = arith.constant 2 : i32
      %add3A_106 = arith.addi %add3A_88, %add3A_105 : i32
      %lt3A_107 = arith.constant 33 : i32
      %lt3A_108 = arith.cmpi slt, %add3A_106, %lt3A_107 : i32
      %ge3A_109 = arith.constant 2 : i32
      %ge3A_110 = arith.cmpi sge, %add3A_88, %ge3A_109 : i32
      %and3A_111 = arith.andi %lt3A_108, %ge3A_110 : i1
      %convert_element_type3A_112 = arith.extui %and3A_111 : i1 to i32
      %cond3A_113 = arith.constant 0 : i32
      %cond3A_114 = arith.cmpi ne, %convert_element_type3A_112, %cond3A_113 : i32
      scf.if %cond3A_114 {
        %dma_wait3A_192 = arith.constant 0 : i32
        %dma_wait3A_193 = arith.constant 0 : i32
        %dma_wait3A_194 = tpu.memref_slice %arg4[%dma_wait3A_192, %dma_wait3A_193] : memref<131072x128xf32, #tpu.memory_space<hbm>> -> memref<128x128xf32, #tpu.memory_space<hbm>>
        %dma_wait3A_195 = arith.constant 0 : i32
        %dma_wait3A_196 = arith.constant 0 : i32
        %dma_wait3A_197 = tpu.memref_slice %arg4[%dma_wait3A_195, %dma_wait3A_196] : memref<131072x128xf32, #tpu.memory_space<hbm>> -> memref<128x128xf32, #tpu.memory_space<hbm>>
        tpu.wait_dma2 semaphore(%arg18 : memref<!tpu.dma_semaphore, #tpu.memory_space<semaphore_mem>>) src(%arg10 : memref<128x128xf32, #tpu.memory_space<vmem>>) dst(%dma_wait3A_197 : memref<128x128xf32, #tpu.memory_space<hbm>>)
      } else {
      }
      %add3A_115 = arith.constant 2 : i32
      %add3A_116 = arith.addi %add3A_88, %add3A_115 : i32
      %lt3A_117 = arith.constant 33 : i32
      %lt3A_118 = arith.cmpi slt, %add3A_116, %lt3A_117 : i32
      %convert_element_type3A_119 = arith.extui %lt3A_118 : i1 to i32
      %cond3A_120 = arith.constant 0 : i32
      %cond3A_121 = arith.cmpi ne, %convert_element_type3A_119, %cond3A_120 : i32
      scf.if %cond3A_121 {
        %add3A_192 = arith.constant 2 : i32
        %add3A_193 = arith.addi %add3A_88, %add3A_192 : i32
        %dma_start3A_194 = arith.constant 0 : i32
        %dma_start3A_195 = tpu.memref_slice %arg6[%add3A_193, %dma_start3A_194] : memref<33x128xi32, #tpu.memory_space<vmem>> -> memref<1x128xi32, #tpu.memory_space<vmem>>
        %dma_start3A_196 = tpu.memref_squeeze %dma_start3A_195 : memref<1x128xi32, #tpu.memory_space<vmem>> -> memref<128xi32, #tpu.memory_space<vmem>>
        %dma_start3A_197 = arith.constant 0 : i32
        %dma_start3A_198 = arith.constant 0 : i32
        %dma_start3A_199 = tpu.memref_slice %arg2[%dma_start3A_197, %dma_start3A_198] : memref<100000x128xf32, #tpu.memory_space<hbm>> -> memref<100000x128xf32, #tpu.memory_space<hbm>>
        tpu.enqueue_indirect_dma source(%dma_start3A_199 : memref<100000x128xf32, #tpu.memory_space<hbm>>) target(%arg10 : memref<128x128xf32, #tpu.memory_space<vmem>>) offsets(%dma_start3A_196 : memref<128xi32, #tpu.memory_space<vmem>>) semaphore(%arg14 : memref<!tpu.dma_semaphore, #tpu.memory_space<semaphore_mem>>)
      } else {
      }
      %add3A_122 = arith.constant 2 : i32
      %add3A_123 = arith.addi %mul3A_57, %add3A_122 : i32
      %dma_wait3A_124 = arith.constant 0 : i32
      %dma_wait3A_125 = tpu.memref_slice %arg6[%add3A_123, %dma_wait3A_124] : memref<33x128xi32, #tpu.memory_space<vmem>> -> memref<1x128xi32, #tpu.memory_space<vmem>>
      %dma_wait3A_126 = tpu.memref_squeeze %dma_wait3A_125 : memref<1x128xi32, #tpu.memory_space<vmem>> -> memref<128xi32, #tpu.memory_space<vmem>>
      %dma_wait3A_127 = arith.constant 0 : i32
      %dma_wait3A_128 = arith.constant 0 : i32
      %dma_wait3A_129 = tpu.memref_slice %arg2[%dma_wait3A_127, %dma_wait3A_128] : memref<100000x128xf32, #tpu.memory_space<hbm>> -> memref<100000x128xf32, #tpu.memory_space<hbm>>
      tpu.wait_indirect_dma semaphore(%arg13 : memref<!tpu.dma_semaphore, #tpu.memory_space<semaphore_mem>>) src(%dma_wait3A_129 : memref<100000x128xf32, #tpu.memory_space<hbm>>) dst(%arg9 : memref<128x128xf32, #tpu.memory_space<vmem>>)
      %lt3A_130 = arith.constant 32 : i32
      %lt3A_131 = arith.cmpi slt, %add3A_123, %lt3A_130 : i32
      %convert_element_type3A_132 = arith.extui %lt3A_131 : i1 to i32
      %cond3A_133 = arith.constant 0 : i32
      %cond3A_134 = arith.cmpi ne, %convert_element_type3A_132, %cond3A_133 : i32
      scf.if %cond3A_134 {
        %mul3A_192 = arith.constant 32 : i32
        %mul3A_193 = arith.muli %add3A, %mul3A_192 : i32
        %add3A_194 = arith.addi %mul3A_193, %add3A_123 : i32
        %mul3A_195 = arith.constant 128 : i32
        %mul3A_196 = arith.muli %add3A_194, %mul3A_195 : i32
        %dma_start3A_197 = arith.constant 0 : i32
        %dma_start3A_198 = tpu.memref_slice %arg4[%mul3A_196, %dma_start3A_197] : memref<131072x128xf32, #tpu.memory_space<hbm>> -> memref<128x128xf32, #tpu.memory_space<hbm>>
        %dma_start3A_199 = arith.constant 0 : i32
        %dma_start3A_200 = tpu.memref_slice %arg4[%mul3A_196, %dma_start3A_199] : memref<131072x128xf32, #tpu.memory_space<hbm>> -> memref<128x128xf32, #tpu.memory_space<hbm>>
        tpu.enqueue_dma source(%arg9 : memref<128x128xf32, #tpu.memory_space<vmem>>) target(%dma_start3A_200 : memref<128x128xf32, #tpu.memory_space<hbm>>) target_semaphore(%arg17 : memref<!tpu.dma_semaphore, #tpu.memory_space<semaphore_mem>>)
      } else {
      }
      %eq3A_135 = arith.constant 32 : i32
      %eq3A_136 = arith.cmpi eq, %add3A_123, %eq3A_135 : i32
      %convert_element_type3A_137 = arith.extui %eq3A_136 : i1 to i32
      %cond3A_138 = arith.constant 0 : i32
      %cond3A_139 = arith.cmpi ne, %convert_element_type3A_137, %cond3A_138 : i32
      scf.if %cond3A_139 {
        %mul3A_192 = arith.constant 128 : i32
        %mul3A_193 = arith.muli %add3A, %mul3A_192 : i32
        %dma_start3A_194 = arith.constant 0 : i32
        %dma_start3A_195 = tpu.memref_slice %arg5[%mul3A_193, %dma_start3A_194] : memref<4096x128xf32, #tpu.memory_space<hbm>> -> memref<128x128xf32, #tpu.memory_space<hbm>>
        %dma_start3A_196 = arith.constant 0 : i32
        %dma_start3A_197 = tpu.memref_slice %arg5[%mul3A_193, %dma_start3A_196] : memref<4096x128xf32, #tpu.memory_space<hbm>> -> memref<128x128xf32, #tpu.memory_space<hbm>>
        tpu.enqueue_dma source(%arg9 : memref<128x128xf32, #tpu.memory_space<vmem>>) target(%dma_start3A_197 : memref<128x128xf32, #tpu.memory_space<hbm>>) target_semaphore(%arg17 : memref<!tpu.dma_semaphore, #tpu.memory_space<semaphore_mem>>)
      } else {
      }
      %add3A_140 = arith.constant 2 : i32
      %add3A_141 = arith.addi %add3A_123, %add3A_140 : i32
      %lt3A_142 = arith.constant 33 : i32
      %lt3A_143 = arith.cmpi slt, %add3A_141, %lt3A_142 : i32
      %ge3A_144 = arith.constant 2 : i32
      %ge3A_145 = arith.cmpi sge, %add3A_123, %ge3A_144 : i32
      %and3A_146 = arith.andi %lt3A_143, %ge3A_145 : i1
      %convert_element_type3A_147 = arith.extui %and3A_146 : i1 to i32
      %cond3A_148 = arith.constant 0 : i32
      %cond3A_149 = arith.cmpi ne, %convert_element_type3A_147, %cond3A_148 : i32
      scf.if %cond3A_149 {
        %dma_wait3A_192 = arith.constant 0 : i32
        %dma_wait3A_193 = arith.constant 0 : i32
        %dma_wait3A_194 = tpu.memref_slice %arg4[%dma_wait3A_192, %dma_wait3A_193] : memref<131072x128xf32, #tpu.memory_space<hbm>> -> memref<128x128xf32, #tpu.memory_space<hbm>>
        %dma_wait3A_195 = arith.constant 0 : i32
        %dma_wait3A_196 = arith.constant 0 : i32
        %dma_wait3A_197 = tpu.memref_slice %arg4[%dma_wait3A_195, %dma_wait3A_196] : memref<131072x128xf32, #tpu.memory_space<hbm>> -> memref<128x128xf32, #tpu.memory_space<hbm>>
        tpu.wait_dma2 semaphore(%arg15 : memref<!tpu.dma_semaphore, #tpu.memory_space<semaphore_mem>>) src(%arg7 : memref<128x128xf32, #tpu.memory_space<vmem>>) dst(%dma_wait3A_197 : memref<128x128xf32, #tpu.memory_space<hbm>>)
      } else {
      }
      %add3A_150 = arith.constant 2 : i32
      %add3A_151 = arith.addi %add3A_123, %add3A_150 : i32
      %lt3A_152 = arith.constant 33 : i32
      %lt3A_153 = arith.cmpi slt, %add3A_151, %lt3A_152 : i32
      %convert_element_type3A_154 = arith.extui %lt3A_153 : i1 to i32
      %cond3A_155 = arith.constant 0 : i32
      %cond3A_156 = arith.cmpi ne, %convert_element_type3A_154, %cond3A_155 : i32
      scf.if %cond3A_156 {
        %add3A_192 = arith.constant 2 : i32
        %add3A_193 = arith.addi %add3A_123, %add3A_192 : i32
        %dma_start3A_194 = arith.constant 0 : i32
        %dma_start3A_195 = tpu.memref_slice %arg6[%add3A_193, %dma_start3A_194] : memref<33x128xi32, #tpu.memory_space<vmem>> -> memref<1x128xi32, #tpu.memory_space<vmem>>
        %dma_start3A_196 = tpu.memref_squeeze %dma_start3A_195 : memref<1x128xi32, #tpu.memory_space<vmem>> -> memref<128xi32, #tpu.memory_space<vmem>>
        %dma_start3A_197 = arith.constant 0 : i32
        %dma_start3A_198 = arith.constant 0 : i32
        %dma_start3A_199 = tpu.memref_slice %arg2[%dma_start3A_197, %dma_start3A_198] : memref<100000x128xf32, #tpu.memory_space<hbm>> -> memref<100000x128xf32, #tpu.memory_space<hbm>>
        tpu.enqueue_indirect_dma source(%dma_start3A_199 : memref<100000x128xf32, #tpu.memory_space<hbm>>) target(%arg7 : memref<128x128xf32, #tpu.memory_space<vmem>>) offsets(%dma_start3A_196 : memref<128xi32, #tpu.memory_space<vmem>>) semaphore(%arg11 : memref<!tpu.dma_semaphore, #tpu.memory_space<semaphore_mem>>)
      } else {
      }
      %add3A_157 = arith.constant 3 : i32
      %add3A_158 = arith.addi %mul3A_57, %add3A_157 : i32
      %dma_wait3A_159 = arith.constant 0 : i32
      %dma_wait3A_160 = tpu.memref_slice %arg6[%add3A_158, %dma_wait3A_159] : memref<33x128xi32, #tpu.memory_space<vmem>> -> memref<1x128xi32, #tpu.memory_space<vmem>>
      %dma_wait3A_161 = tpu.memref_squeeze %dma_wait3A_160 : memref<1x128xi32, #tpu.memory_space<vmem>> -> memref<128xi32, #tpu.memory_space<vmem>>
      %dma_wait3A_162 = arith.constant 0 : i32
      %dma_wait3A_163 = arith.constant 0 : i32
      %dma_wait3A_164 = tpu.memref_slice %arg2[%dma_wait3A_162, %dma_wait3A_163] : memref<100000x128xf32, #tpu.memory_space<hbm>> -> memref<100000x128xf32, #tpu.memory_space<hbm>>
      tpu.wait_indirect_dma semaphore(%arg14 : memref<!tpu.dma_semaphore, #tpu.memory_space<semaphore_mem>>) src(%dma_wait3A_164 : memref<100000x128xf32, #tpu.memory_space<hbm>>) dst(%arg10 : memref<128x128xf32, #tpu.memory_space<vmem>>)
      %lt3A_165 = arith.constant 32 : i32
      %lt3A_166 = arith.cmpi slt, %add3A_158, %lt3A_165 : i32
      %convert_element_type3A_167 = arith.extui %lt3A_166 : i1 to i32
      %cond3A_168 = arith.constant 0 : i32
      %cond3A_169 = arith.cmpi ne, %convert_element_type3A_167, %cond3A_168 : i32
      scf.if %cond3A_169 {
        %mul3A_192 = arith.constant 32 : i32
        %mul3A_193 = arith.muli %add3A, %mul3A_192 : i32
        %add3A_194 = arith.addi %mul3A_193, %add3A_158 : i32
        %mul3A_195 = arith.constant 128 : i32
        %mul3A_196 = arith.muli %add3A_194, %mul3A_195 : i32
        %dma_start3A_197 = arith.constant 0 : i32
        %dma_start3A_198 = tpu.memref_slice %arg4[%mul3A_196, %dma_start3A_197] : memref<131072x128xf32, #tpu.memory_space<hbm>> -> memref<128x128xf32, #tpu.memory_space<hbm>>
        %dma_start3A_199 = arith.constant 0 : i32
        %dma_start3A_200 = tpu.memref_slice %arg4[%mul3A_196, %dma_start3A_199] : memref<131072x128xf32, #tpu.memory_space<hbm>> -> memref<128x128xf32, #tpu.memory_space<hbm>>
        tpu.enqueue_dma source(%arg10 : memref<128x128xf32, #tpu.memory_space<vmem>>) target(%dma_start3A_200 : memref<128x128xf32, #tpu.memory_space<hbm>>) target_semaphore(%arg18 : memref<!tpu.dma_semaphore, #tpu.memory_space<semaphore_mem>>)
      } else {
      }
      %eq3A_170 = arith.constant 32 : i32
      %eq3A_171 = arith.cmpi eq, %add3A_158, %eq3A_170 : i32
      %convert_element_type3A_172 = arith.extui %eq3A_171 : i1 to i32
      %cond3A_173 = arith.constant 0 : i32
      %cond3A_174 = arith.cmpi ne, %convert_element_type3A_172, %cond3A_173 : i32
      scf.if %cond3A_174 {
        %mul3A_192 = arith.constant 128 : i32
        %mul3A_193 = arith.muli %add3A, %mul3A_192 : i32
        %dma_start3A_194 = arith.constant 0 : i32
        %dma_start3A_195 = tpu.memref_slice %arg5[%mul3A_193, %dma_start3A_194] : memref<4096x128xf32, #tpu.memory_space<hbm>> -> memref<128x128xf32, #tpu.memory_space<hbm>>
        %dma_start3A_196 = arith.constant 0 : i32
        %dma_start3A_197 = tpu.memref_slice %arg5[%mul3A_193, %dma_start3A_196] : memref<4096x128xf32, #tpu.memory_space<hbm>> -> memref<128x128xf32, #tpu.memory_space<hbm>>
        tpu.enqueue_dma source(%arg10 : memref<128x128xf32, #tpu.memory_space<vmem>>) target(%dma_start3A_197 : memref<128x128xf32, #tpu.memory_space<hbm>>) target_semaphore(%arg18 : memref<!tpu.dma_semaphore, #tpu.memory_space<semaphore_mem>>)
      } else {
      }
      %add3A_175 = arith.constant 2 : i32
      %add3A_176 = arith.addi %add3A_158, %add3A_175 : i32
      %lt3A_177 = arith.constant 33 : i32
      %lt3A_178 = arith.cmpi slt, %add3A_176, %lt3A_177 : i32
      %ge3A_179 = arith.constant 2 : i32
      %ge3A_180 = arith.cmpi sge, %add3A_158, %ge3A_179 : i32
      %and3A_181 = arith.andi %lt3A_178, %ge3A_180 : i1
      %convert_element_type3A_182 = arith.extui %and3A_181 : i1 to i32
      %cond3A_183 = arith.constant 0 : i32
      %cond3A_184 = arith.cmpi ne, %convert_element_type3A_182, %cond3A_183 : i32
      scf.if %cond3A_184 {
        %dma_wait3A_192 = arith.constant 0 : i32
        %dma_wait3A_193 = arith.constant 0 : i32
        %dma_wait3A_194 = tpu.memref_slice %arg4[%dma_wait3A_192, %dma_wait3A_193] : memref<131072x128xf32, #tpu.memory_space<hbm>> -> memref<128x128xf32, #tpu.memory_space<hbm>>
        %dma_wait3A_195 = arith.constant 0 : i32
        %dma_wait3A_196 = arith.constant 0 : i32
        %dma_wait3A_197 = tpu.memref_slice %arg4[%dma_wait3A_195, %dma_wait3A_196] : memref<131072x128xf32, #tpu.memory_space<hbm>> -> memref<128x128xf32, #tpu.memory_space<hbm>>
        tpu.wait_dma2 semaphore(%arg16 : memref<!tpu.dma_semaphore, #tpu.memory_space<semaphore_mem>>) src(%arg8 : memref<128x128xf32, #tpu.memory_space<vmem>>) dst(%dma_wait3A_197 : memref<128x128xf32, #tpu.memory_space<hbm>>)
      } else {
      }
      %add3A_185 = arith.constant 2 : i32
      %add3A_186 = arith.addi %add3A_158, %add3A_185 : i32
      %lt3A_187 = arith.constant 33 : i32
      %lt3A_188 = arith.cmpi slt, %add3A_186, %lt3A_187 : i32
      %convert_element_type3A_189 = arith.extui %lt3A_188 : i1 to i32
      %cond3A_190 = arith.constant 0 : i32
      %cond3A_191 = arith.cmpi ne, %convert_element_type3A_189, %cond3A_190 : i32
      scf.if %cond3A_191 {
        %add3A_192 = arith.constant 2 : i32
        %add3A_193 = arith.addi %add3A_158, %add3A_192 : i32
        %dma_start3A_194 = arith.constant 0 : i32
        %dma_start3A_195 = tpu.memref_slice %arg6[%add3A_193, %dma_start3A_194] : memref<33x128xi32, #tpu.memory_space<vmem>> -> memref<1x128xi32, #tpu.memory_space<vmem>>
        %dma_start3A_196 = tpu.memref_squeeze %dma_start3A_195 : memref<1x128xi32, #tpu.memory_space<vmem>> -> memref<128xi32, #tpu.memory_space<vmem>>
        %dma_start3A_197 = arith.constant 0 : i32
        %dma_start3A_198 = arith.constant 0 : i32
        %dma_start3A_199 = tpu.memref_slice %arg2[%dma_start3A_197, %dma_start3A_198] : memref<100000x128xf32, #tpu.memory_space<hbm>> -> memref<100000x128xf32, #tpu.memory_space<hbm>>
        tpu.enqueue_indirect_dma source(%dma_start3A_199 : memref<100000x128xf32, #tpu.memory_space<hbm>>) target(%arg8 : memref<128x128xf32, #tpu.memory_space<vmem>>) offsets(%dma_start3A_196 : memref<128xi32, #tpu.memory_space<vmem>>) semaphore(%arg12 : memref<!tpu.dma_semaphore, #tpu.memory_space<semaphore_mem>>)
      } else {
      }
    }
    %scan3A_18 = arith.constant 8 : i32
    %dma_wait3A = arith.constant 32 : i32
    %dma_wait3A_19 = arith.constant 0 : i32
    %dma_wait3A_20 = tpu.memref_slice %arg6[%dma_wait3A, %dma_wait3A_19] : memref<33x128xi32, #tpu.memory_space<vmem>> -> memref<1x128xi32, #tpu.memory_space<vmem>>
    %dma_wait3A_21 = tpu.memref_squeeze %dma_wait3A_20 : memref<1x128xi32, #tpu.memory_space<vmem>> -> memref<128xi32, #tpu.memory_space<vmem>>
    %dma_wait3A_22 = arith.constant 0 : i32
    %dma_wait3A_23 = arith.constant 0 : i32
    %dma_wait3A_24 = tpu.memref_slice %arg2[%dma_wait3A_22, %dma_wait3A_23] : memref<100000x128xf32, #tpu.memory_space<hbm>> -> memref<100000x128xf32, #tpu.memory_space<hbm>>
    tpu.wait_indirect_dma semaphore(%arg11 : memref<!tpu.dma_semaphore, #tpu.memory_space<semaphore_mem>>) src(%dma_wait3A_24 : memref<100000x128xf32, #tpu.memory_space<hbm>>) dst(%arg7 : memref<128x128xf32, #tpu.memory_space<vmem>>)
    %mul3A_25 = arith.constant 128 : i32
    %mul3A_26 = arith.muli %add3A, %mul3A_25 : i32
    %dma_start3A_27 = arith.constant 0 : i32
    %dma_start3A_28 = tpu.memref_slice %arg5[%mul3A_26, %dma_start3A_27] : memref<4096x128xf32, #tpu.memory_space<hbm>> -> memref<128x128xf32, #tpu.memory_space<hbm>>
    %dma_start3A_29 = arith.constant 0 : i32
    %dma_start3A_30 = tpu.memref_slice %arg5[%mul3A_26, %dma_start3A_29] : memref<4096x128xf32, #tpu.memory_space<hbm>> -> memref<128x128xf32, #tpu.memory_space<hbm>>
    tpu.enqueue_dma source(%arg7 : memref<128x128xf32, #tpu.memory_space<vmem>>) target(%dma_start3A_30 : memref<128x128xf32, #tpu.memory_space<hbm>>) target_semaphore(%arg15 : memref<!tpu.dma_semaphore, #tpu.memory_space<semaphore_mem>>)
    %dma_wait3A_31 = arith.constant 0 : i32
    %dma_wait3A_32 = arith.constant 0 : i32
    %dma_wait3A_33 = tpu.memref_slice %arg4[%dma_wait3A_31, %dma_wait3A_32] : memref<131072x128xf32, #tpu.memory_space<hbm>> -> memref<128x128xf32, #tpu.memory_space<hbm>>
    %dma_wait3A_34 = arith.constant 0 : i32
    %dma_wait3A_35 = arith.constant 0 : i32
    %dma_wait3A_36 = tpu.memref_slice %arg4[%dma_wait3A_34, %dma_wait3A_35] : memref<131072x128xf32, #tpu.memory_space<hbm>> -> memref<128x128xf32, #tpu.memory_space<hbm>>
    tpu.wait_dma2 semaphore(%arg15 : memref<!tpu.dma_semaphore, #tpu.memory_space<semaphore_mem>>) src(%arg7 : memref<128x128xf32, #tpu.memory_space<vmem>>) dst(%dma_wait3A_36 : memref<128x128xf32, #tpu.memory_space<hbm>>)
    %dma_wait3A_37 = arith.constant 0 : i32
    %dma_wait3A_38 = arith.constant 0 : i32
    %dma_wait3A_39 = tpu.memref_slice %arg4[%dma_wait3A_37, %dma_wait3A_38] : memref<131072x128xf32, #tpu.memory_space<hbm>> -> memref<128x128xf32, #tpu.memory_space<hbm>>
    %dma_wait3A_40 = arith.constant 0 : i32
    %dma_wait3A_41 = arith.constant 0 : i32
    %dma_wait3A_42 = tpu.memref_slice %arg4[%dma_wait3A_40, %dma_wait3A_41] : memref<131072x128xf32, #tpu.memory_space<hbm>> -> memref<128x128xf32, #tpu.memory_space<hbm>>
    tpu.wait_dma2 semaphore(%arg16 : memref<!tpu.dma_semaphore, #tpu.memory_space<semaphore_mem>>) src(%arg8 : memref<128x128xf32, #tpu.memory_space<vmem>>) dst(%dma_wait3A_42 : memref<128x128xf32, #tpu.memory_space<hbm>>)
    %dma_wait3A_43 = arith.constant 0 : i32
    %dma_wait3A_44 = arith.constant 0 : i32
    %dma_wait3A_45 = tpu.memref_slice %arg4[%dma_wait3A_43, %dma_wait3A_44] : memref<131072x128xf32, #tpu.memory_space<hbm>> -> memref<128x128xf32, #tpu.memory_space<hbm>>
    %dma_wait3A_46 = arith.constant 0 : i32
    %dma_wait3A_47 = arith.constant 0 : i32
    %dma_wait3A_48 = tpu.memref_slice %arg4[%dma_wait3A_46, %dma_wait3A_47] : memref<131072x128xf32, #tpu.memory_space<hbm>> -> memref<128x128xf32, #tpu.memory_space<hbm>>
    tpu.wait_dma2 semaphore(%arg17 : memref<!tpu.dma_semaphore, #tpu.memory_space<semaphore_mem>>) src(%arg9 : memref<128x128xf32, #tpu.memory_space<vmem>>) dst(%dma_wait3A_48 : memref<128x128xf32, #tpu.memory_space<hbm>>)
    %dma_wait3A_49 = arith.constant 0 : i32
    %dma_wait3A_50 = arith.constant 0 : i32
    %dma_wait3A_51 = tpu.memref_slice %arg4[%dma_wait3A_49, %dma_wait3A_50] : memref<131072x128xf32, #tpu.memory_space<hbm>> -> memref<128x128xf32, #tpu.memory_space<hbm>>
    %dma_wait3A_52 = arith.constant 0 : i32
    %dma_wait3A_53 = arith.constant 0 : i32
    %dma_wait3A_54 = tpu.memref_slice %arg4[%dma_wait3A_52, %dma_wait3A_53] : memref<131072x128xf32, #tpu.memory_space<hbm>> -> memref<128x128xf32, #tpu.memory_space<hbm>>
    tpu.wait_dma2 semaphore(%arg18 : memref<!tpu.dma_semaphore, #tpu.memory_space<semaphore_mem>>) src(%arg10 : memref<128x128xf32, #tpu.memory_space<vmem>>) dst(%dma_wait3A_54 : memref<128x128xf32, #tpu.memory_space<hbm>>)
    return
  }
}

#map = affine_map<(d0, d1) -> (0, 0)>
#map1 = affine_map<(d0, d1) -> (0, 0, 0)>
module attributes {stable_mosaic.version = 14 : i64} {
  func.func @k(%arg0: i32, %arg1: i32, %arg2: memref<100000x128xf32, #tpu.memory_space<hbm>>, %arg3: memref<32x33x128xi32, #tpu.memory_space<hbm>>, %arg4: memref<131072x128xf32, #tpu.memory_space<hbm>>, %arg5: memref<4096x128xf32, #tpu.memory_space<hbm>>, %arg6: memref<33x128xi32, #tpu.memory_space<vmem>>, %arg7: memref<128x128xf32, #tpu.memory_space<vmem>>, %arg8: memref<128x128xf32, #tpu.memory_space<vmem>>, %arg9: memref<128x128xf32, #tpu.memory_space<vmem>>, %arg10: memref<128x128xf32, #tpu.memory_space<vmem>>, %arg11: memref<!tpu.dma_semaphore, #tpu.memory_space<semaphore_mem>>, %arg12: memref<!tpu.dma_semaphore, #tpu.memory_space<semaphore_mem>>, %arg13: memref<!tpu.dma_semaphore, #tpu.memory_space<semaphore_mem>>, %arg14: memref<!tpu.dma_semaphore, #tpu.memory_space<semaphore_mem>>, %arg15: memref<!tpu.dma_semaphore, #tpu.memory_space<semaphore_mem>>, %arg16: memref<!tpu.dma_semaphore, #tpu.memory_space<semaphore_mem>>, %arg17: memref<!tpu.dma_semaphore, #tpu.memory_space<semaphore_mem>>, %arg18: memref<!tpu.dma_semaphore, #tpu.memory_space<semaphore_mem>>) attributes {dimension_semantics = [#tpu.dimension_semantics<core_parallel>, #tpu.dimension_semantics<subcore_parallel>], iteration_bounds = array<i64: 2, 16>, scalar_prefetch = 0 : i64, scratch_operands = 13 : i64, tpu.core_type = #tpu.core_type<sc_vector_subcore>, window_params = [{transform_indices = #map}, {transform_indices = #map1}, {transform_indices = #map}, {transform_indices = #map}]} {
    %mul3A = arith.constant 2 : i32
    %mul3A_0 = arith.muli %arg1, %mul3A : i32
    %add3A = arith.addi %mul3A_0, %arg0 : i32
    "tpu.region"() ({
      %run_scoped3A = tpu.sem_alloc : memref<!tpu.dma_semaphore, #tpu.memory_space<semaphore_mem>>
      %dma_start3A_55 = arith.constant 0 : i32
      %dma_start3A_56 = arith.constant 0 : i32
      %dma_start3A_57 = tpu.memref_slice %arg3[%add3A, %dma_start3A_55, %dma_start3A_56] : memref<32x33x128xi32, #tpu.memory_space<hbm>> -> memref<1x33x128xi32, #tpu.memory_space<hbm>>
      %dma_start3A_58 = tpu.memref_squeeze %dma_start3A_57 : memref<1x33x128xi32, #tpu.memory_space<hbm>> -> memref<33x128xi32, #tpu.memory_space<hbm>>
      %dma_start3A_59 = arith.constant 0 : i32
      %dma_start3A_60 = arith.constant 0 : i32
      %dma_start3A_61 = tpu.memref_slice %arg3[%add3A, %dma_start3A_59, %dma_start3A_60] : memref<32x33x128xi32, #tpu.memory_space<hbm>> -> memref<1x33x128xi32, #tpu.memory_space<hbm>>
      %dma_start3A_62 = tpu.memref_squeeze %dma_start3A_61 : memref<1x33x128xi32, #tpu.memory_space<hbm>> -> memref<33x128xi32, #tpu.memory_space<hbm>>
      tpu.enqueue_dma source(%dma_start3A_62 : memref<33x128xi32, #tpu.memory_space<hbm>>) target(%arg6 : memref<33x128xi32, #tpu.memory_space<vmem>>) target_semaphore(%run_scoped3A : memref<!tpu.dma_semaphore, #tpu.memory_space<semaphore_mem>>)
      %dma_wait3A_63 = arith.constant 0 : i32
      %dma_wait3A_64 = arith.constant 0 : i32
      %dma_wait3A_65 = tpu.memref_slice %arg3[%add3A, %dma_wait3A_63, %dma_wait3A_64] : memref<32x33x128xi32, #tpu.memory_space<hbm>> -> memref<1x33x128xi32, #tpu.memory_space<hbm>>
      %dma_wait3A_66 = tpu.memref_squeeze %dma_wait3A_65 : memref<1x33x128xi32, #tpu.memory_space<hbm>> -> memref<33x128xi32, #tpu.memory_space<hbm>>
      %dma_wait3A_67 = arith.constant 0 : i32
      %dma_wait3A_68 = arith.constant 0 : i32
      %dma_wait3A_69 = tpu.memref_slice %arg3[%add3A, %dma_wait3A_67, %dma_wait3A_68] : memref<32x33x128xi32, #tpu.memory_space<hbm>> -> memref<1x33x128xi32, #tpu.memory_space<hbm>>
      %dma_wait3A_70 = tpu.memref_squeeze %dma_wait3A_69 : memref<1x33x128xi32, #tpu.memory_space<hbm>> -> memref<33x128xi32, #tpu.memory_space<hbm>>
      tpu.wait_dma2 semaphore(%run_scoped3A : memref<!tpu.dma_semaphore, #tpu.memory_space<semaphore_mem>>) src(%dma_wait3A_70 : memref<33x128xi32, #tpu.memory_space<hbm>>) dst(%arg6 : memref<33x128xi32, #tpu.memory_space<vmem>>)
      tpu.yield
    }) : () -> ()
    %dma_start3A = arith.constant 0 : i32
    %dma_start3A_1 = arith.constant 0 : i32
    %dma_start3A_2 = tpu.memref_slice %arg6[%dma_start3A, %dma_start3A_1] : memref<33x128xi32, #tpu.memory_space<vmem>> -> memref<1x128xi32, #tpu.memory_space<vmem>>
    %dma_start3A_3 = tpu.memref_squeeze %dma_start3A_2 : memref<1x128xi32, #tpu.memory_space<vmem>> -> memref<128xi32, #tpu.memory_space<vmem>>
    %dma_start3A_4 = arith.constant 0 : i32
    %dma_start3A_5 = arith.constant 0 : i32
    %dma_start3A_6 = tpu.memref_slice %arg2[%dma_start3A_4, %dma_start3A_5] : memref<100000x128xf32, #tpu.memory_space<hbm>> -> memref<100000x128xf32, #tpu.memory_space<hbm>>
    tpu.enqueue_indirect_dma source(%dma_start3A_6 : memref<100000x128xf32, #tpu.memory_space<hbm>>) target(%arg7 : memref<128x128xf32, #tpu.memory_space<vmem>>) offsets(%dma_start3A_3 : memref<128xi32, #tpu.memory_space<vmem>>) semaphore(%arg11 : memref<!tpu.dma_semaphore, #tpu.memory_space<semaphore_mem>>)
    %dma_start3A_7 = arith.constant 1 : i32
    %dma_start3A_8 = arith.constant 0 : i32
    %dma_start3A_9 = tpu.memref_slice %arg6[%dma_start3A_7, %dma_start3A_8] : memref<33x128xi32, #tpu.memory_space<vmem>> -> memref<1x128xi32, #tpu.memory_space<vmem>>
    %dma_start3A_10 = tpu.memref_squeeze %dma_start3A_9 : memref<1x128xi32, #tpu.memory_space<vmem>> -> memref<128xi32, #tpu.memory_space<vmem>>
    %dma_start3A_11 = arith.constant 0 : i32
    %dma_start3A_12 = arith.constant 0 : i32
    %dma_start3A_13 = tpu.memref_slice %arg2[%dma_start3A_11, %dma_start3A_12] : memref<100000x128xf32, #tpu.memory_space<hbm>> -> memref<100000x128xf32, #tpu.memory_space<hbm>>
    tpu.enqueue_indirect_dma source(%dma_start3A_13 : memref<100000x128xf32, #tpu.memory_space<hbm>>) target(%arg8 : memref<128x128xf32, #tpu.memory_space<vmem>>) offsets(%dma_start3A_10 : memref<128xi32, #tpu.memory_space<vmem>>) semaphore(%arg12 : memref<!tpu.dma_semaphore, #tpu.memory_space<semaphore_mem>>)
    %scan3A = arith.constant 0 : i32
    %scan3A_14 = arith.constant 0 : i32
    %scan3A_15 = arith.constant 8 : i32
    %scan3A_16 = arith.addi %scan3A_14, %scan3A_15 : i32
    %scan3A_17 = arith.constant 1 : i32
    scf.for %scan3A_55 = %scan3A_14 to %scan3A_16 step %scan3A_17  : i32 {
      %mul3A_56 = arith.constant 4 : i32
      %mul3A_57 = arith.muli %mul3A_56, %scan3A_55 : i32
      %add3A_58 = arith.constant 0 : i32
      %add3A_59 = arith.addi %mul3A_57, %add3A_58 : i32
      %dma_wait3A_60 = arith.constant 0 : i32
      %dma_wait3A_61 = tpu.memref_slice %arg6[%add3A_59, %dma_wait3A_60] : memref<33x128xi32, #tpu.memory_space<vmem>> -> memref<1x128xi32, #tpu.memory_space<vmem>>
      %dma_wait3A_62 = tpu.memref_squeeze %dma_wait3A_61 : memref<1x128xi32, #tpu.memory_space<vmem>> -> memref<128xi32, #tpu.memory_space<vmem>>
      %dma_wait3A_63 = arith.constant 0 : i32
      %dma_wait3A_64 = arith.constant 0 : i32
      %dma_wait3A_65 = tpu.memref_slice %arg2[%dma_wait3A_63, %dma_wait3A_64] : memref<100000x128xf32, #tpu.memory_space<hbm>> -> memref<100000x128xf32, #tpu.memory_space<hbm>>
      tpu.wait_indirect_dma semaphore(%arg11 : memref<!tpu.dma_semaphore, #tpu.memory_space<semaphore_mem>>) src(%dma_wait3A_65 : memref<100000x128xf32, #tpu.memory_space<hbm>>) dst(%arg7 : memref<128x128xf32, #tpu.memory_space<vmem>>)
      %lt3A = arith.constant 32 : i32
      %lt3A_66 = arith.cmpi slt, %add3A_59, %lt3A : i32
      %convert_element_type3A = arith.extui %lt3A_66 : i1 to i32
      %cond3A = arith.constant 0 : i32
      %cond3A_67 = arith.cmpi ne, %convert_element_type3A, %cond3A : i32
      scf.if %cond3A_67 {
        %mul3A_192 = arith.constant 32 : i32
        %mul3A_193 = arith.muli %add3A, %mul3A_192 : i32
        %add3A_194 = arith.addi %mul3A_193, %add3A_59 : i32
        %mul3A_195 = arith.constant 128 : i32
        %mul3A_196 = arith.muli %add3A_194, %mul3A_195 : i32
        %dma_start3A_197 = arith.constant 0 : i32
        %dma_start3A_198 = tpu.memref_slice %arg4[%mul3A_196, %dma_start3A_197] : memref<131072x128xf32, #tpu.memory_space<hbm>> -> memref<128x128xf32, #tpu.memory_space<hbm>>
        %dma_start3A_199 = arith.constant 0 : i32
        %dma_start3A_200 = tpu.memref_slice %arg4[%mul3A_196, %dma_start3A_199] : memref<131072x128xf32, #tpu.memory_space<hbm>> -> memref<128x128xf32, #tpu.memory_space<hbm>>
        tpu.enqueue_dma source(%arg7 : memref<128x128xf32, #tpu.memory_space<vmem>>) target(%dma_start3A_200 : memref<128x128xf32, #tpu.memory_space<hbm>>) target_semaphore(%arg15 : memref<!tpu.dma_semaphore, #tpu.memory_space<semaphore_mem>>)
      } else {
      }
      %eq3A = arith.constant 32 : i32
      %eq3A_68 = arith.cmpi eq, %add3A_59, %eq3A : i32
      %convert_element_type3A_69 = arith.extui %eq3A_68 : i1 to i32
      %cond3A_70 = arith.constant 0 : i32
      %cond3A_71 = arith.cmpi ne, %convert_element_type3A_69, %cond3A_70 : i32
      scf.if %cond3A_71 {
        %mul3A_192 = arith.constant 128 : i32
        %mul3A_193 = arith.muli %add3A, %mul3A_192 : i32
        %dma_start3A_194 = arith.constant 0 : i32
        %dma_start3A_195 = tpu.memref_slice %arg5[%mul3A_193, %dma_start3A_194] : memref<4096x128xf32, #tpu.memory_space<hbm>> -> memref<128x128xf32, #tpu.memory_space<hbm>>
        %dma_start3A_196 = arith.constant 0 : i32
        %dma_start3A_197 = tpu.memref_slice %arg5[%mul3A_193, %dma_start3A_196] : memref<4096x128xf32, #tpu.memory_space<hbm>> -> memref<128x128xf32, #tpu.memory_space<hbm>>
        tpu.enqueue_dma source(%arg7 : memref<128x128xf32, #tpu.memory_space<vmem>>) target(%dma_start3A_197 : memref<128x128xf32, #tpu.memory_space<hbm>>) target_semaphore(%arg15 : memref<!tpu.dma_semaphore, #tpu.memory_space<semaphore_mem>>)
      } else {
      }
      %add3A_72 = arith.constant 2 : i32
      %add3A_73 = arith.addi %add3A_59, %add3A_72 : i32
      %lt3A_74 = arith.constant 33 : i32
      %lt3A_75 = arith.cmpi slt, %add3A_73, %lt3A_74 : i32
      %ge3A = arith.constant 2 : i32
      %ge3A_76 = arith.cmpi sge, %add3A_59, %ge3A : i32
      %and3A = arith.andi %lt3A_75, %ge3A_76 : i1
      %convert_element_type3A_77 = arith.extui %and3A : i1 to i32
      %cond3A_78 = arith.constant 0 : i32
      %cond3A_79 = arith.cmpi ne, %convert_element_type3A_77, %cond3A_78 : i32
      scf.if %cond3A_79 {
        %dma_wait3A_192 = arith.constant 0 : i32
        %dma_wait3A_193 = arith.constant 0 : i32
        %dma_wait3A_194 = tpu.memref_slice %arg4[%dma_wait3A_192, %dma_wait3A_193] : memref<131072x128xf32, #tpu.memory_space<hbm>> -> memref<128x128xf32, #tpu.memory_space<hbm>>
        %dma_wait3A_195 = arith.constant 0 : i32
        %dma_wait3A_196 = arith.constant 0 : i32
        %dma_wait3A_197 = tpu.memref_slice %arg4[%dma_wait3A_195, %dma_wait3A_196] : memref<131072x128xf32, #tpu.memory_space<hbm>> -> memref<128x128xf32, #tpu.memory_space<hbm>>
        tpu.wait_dma2 semaphore(%arg17 : memref<!tpu.dma_semaphore, #tpu.memory_space<semaphore_mem>>) src(%arg9 : memref<128x128xf32, #tpu.memory_space<vmem>>) dst(%dma_wait3A_197 : memref<128x128xf32, #tpu.memory_space<hbm>>)
      } else {
      }
      %add3A_80 = arith.constant 2 : i32
      %add3A_81 = arith.addi %add3A_59, %add3A_80 : i32
      %lt3A_82 = arith.constant 33 : i32
      %lt3A_83 = arith.cmpi slt, %add3A_81, %lt3A_82 : i32
      %convert_element_type3A_84 = arith.extui %lt3A_83 : i1 to i32
      %cond3A_85 = arith.constant 0 : i32
      %cond3A_86 = arith.cmpi ne, %convert_element_type3A_84, %cond3A_85 : i32
      scf.if %cond3A_86 {
        %add3A_192 = arith.constant 2 : i32
        %add3A_193 = arith.addi %add3A_59, %add3A_192 : i32
        %dma_start3A_194 = arith.constant 0 : i32
        %dma_start3A_195 = tpu.memref_slice %arg6[%add3A_193, %dma_start3A_194] : memref<33x128xi32, #tpu.memory_space<vmem>> -> memref<1x128xi32, #tpu.memory_space<vmem>>
        %dma_start3A_196 = tpu.memref_squeeze %dma_start3A_195 : memref<1x128xi32, #tpu.memory_space<vmem>> -> memref<128xi32, #tpu.memory_space<vmem>>
        %dma_start3A_197 = arith.constant 0 : i32
        %dma_start3A_198 = arith.constant 0 : i32
        %dma_start3A_199 = tpu.memref_slice %arg2[%dma_start3A_197, %dma_start3A_198] : memref<100000x128xf32, #tpu.memory_space<hbm>> -> memref<100000x128xf32, #tpu.memory_space<hbm>>
        tpu.enqueue_indirect_dma source(%dma_start3A_199 : memref<100000x128xf32, #tpu.memory_space<hbm>>) target(%arg9 : memref<128x128xf32, #tpu.memory_space<vmem>>) offsets(%dma_start3A_196 : memref<128xi32, #tpu.memory_space<vmem>>) semaphore(%arg13 : memref<!tpu.dma_semaphore, #tpu.memory_space<semaphore_mem>>)
      } else {
      }
      %add3A_87 = arith.constant 1 : i32
      %add3A_88 = arith.addi %mul3A_57, %add3A_87 : i32
      %dma_wait3A_89 = arith.constant 0 : i32
      %dma_wait3A_90 = tpu.memref_slice %arg6[%add3A_88, %dma_wait3A_89] : memref<33x128xi32, #tpu.memory_space<vmem>> -> memref<1x128xi32, #tpu.memory_space<vmem>>
      %dma_wait3A_91 = tpu.memref_squeeze %dma_wait3A_90 : memref<1x128xi32, #tpu.memory_space<vmem>> -> memref<128xi32, #tpu.memory_space<vmem>>
      %dma_wait3A_92 = arith.constant 0 : i32
      %dma_wait3A_93 = arith.constant 0 : i32
      %dma_wait3A_94 = tpu.memref_slice %arg2[%dma_wait3A_92, %dma_wait3A_93] : memref<100000x128xf32, #tpu.memory_space<hbm>> -> memref<100000x128xf32, #tpu.memory_space<hbm>>
      tpu.wait_indirect_dma semaphore(%arg12 : memref<!tpu.dma_semaphore, #tpu.memory_space<semaphore_mem>>) src(%dma_wait3A_94 : memref<100000x128xf32, #tpu.memory_space<hbm>>) dst(%arg8 : memref<128x128xf32, #tpu.memory_space<vmem>>)
      %lt3A_95 = arith.constant 32 : i32
      %lt3A_96 = arith.cmpi slt, %add3A_88, %lt3A_95 : i32
      %convert_element_type3A_97 = arith.extui %lt3A_96 : i1 to i32
      %cond3A_98 = arith.constant 0 : i32
      %cond3A_99 = arith.cmpi ne, %convert_element_type3A_97, %cond3A_98 : i32
      scf.if %cond3A_99 {
        %mul3A_192 = arith.constant 32 : i32
        %mul3A_193 = arith.muli %add3A, %mul3A_192 : i32
        %add3A_194 = arith.addi %mul3A_193, %add3A_88 : i32
        %mul3A_195 = arith.constant 128 : i32
        %mul3A_196 = arith.muli %add3A_194, %mul3A_195 : i32
        %dma_start3A_197 = arith.constant 0 : i32
        %dma_start3A_198 = tpu.memref_slice %arg4[%mul3A_196, %dma_start3A_197] : memref<131072x128xf32, #tpu.memory_space<hbm>> -> memref<128x128xf32, #tpu.memory_space<hbm>>
        %dma_start3A_199 = arith.constant 0 : i32
        %dma_start3A_200 = tpu.memref_slice %arg4[%mul3A_196, %dma_start3A_199] : memref<131072x128xf32, #tpu.memory_space<hbm>> -> memref<128x128xf32, #tpu.memory_space<hbm>>
        tpu.enqueue_dma source(%arg8 : memref<128x128xf32, #tpu.memory_space<vmem>>) target(%dma_start3A_200 : memref<128x128xf32, #tpu.memory_space<hbm>>) target_semaphore(%arg16 : memref<!tpu.dma_semaphore, #tpu.memory_space<semaphore_mem>>)
      } else {
      }
      %eq3A_100 = arith.constant 32 : i32
      %eq3A_101 = arith.cmpi eq, %add3A_88, %eq3A_100 : i32
      %convert_element_type3A_102 = arith.extui %eq3A_101 : i1 to i32
      %cond3A_103 = arith.constant 0 : i32
      %cond3A_104 = arith.cmpi ne, %convert_element_type3A_102, %cond3A_103 : i32
      scf.if %cond3A_104 {
        %mul3A_192 = arith.constant 128 : i32
        %mul3A_193 = arith.muli %add3A, %mul3A_192 : i32
        %dma_start3A_194 = arith.constant 0 : i32
        %dma_start3A_195 = tpu.memref_slice %arg5[%mul3A_193, %dma_start3A_194] : memref<4096x128xf32, #tpu.memory_space<hbm>> -> memref<128x128xf32, #tpu.memory_space<hbm>>
        %dma_start3A_196 = arith.constant 0 : i32
        %dma_start3A_197 = tpu.memref_slice %arg5[%mul3A_193, %dma_start3A_196] : memref<4096x128xf32, #tpu.memory_space<hbm>> -> memref<128x128xf32, #tpu.memory_space<hbm>>
        tpu.enqueue_dma source(%arg8 : memref<128x128xf32, #tpu.memory_space<vmem>>) target(%dma_start3A_197 : memref<128x128xf32, #tpu.memory_space<hbm>>) target_semaphore(%arg16 : memref<!tpu.dma_semaphore, #tpu.memory_space<semaphore_mem>>)
      } else {
      }
      %add3A_105 = arith.constant 2 : i32
      %add3A_106 = arith.addi %add3A_88, %add3A_105 : i32
      %lt3A_107 = arith.constant 33 : i32
      %lt3A_108 = arith.cmpi slt, %add3A_106, %lt3A_107 : i32
      %ge3A_109 = arith.constant 2 : i32
      %ge3A_110 = arith.cmpi sge, %add3A_88, %ge3A_109 : i32
      %and3A_111 = arith.andi %lt3A_108, %ge3A_110 : i1
      %convert_element_type3A_112 = arith.extui %and3A_111 : i1 to i32
      %cond3A_113 = arith.constant 0 : i32
      %cond3A_114 = arith.cmpi ne, %convert_element_type3A_112, %cond3A_113 : i32
      scf.if %cond3A_114 {
        %dma_wait3A_192 = arith.constant 0 : i32
        %dma_wait3A_193 = arith.constant 0 : i32
        %dma_wait3A_194 = tpu.memref_slice %arg4[%dma_wait3A_192, %dma_wait3A_193] : memref<131072x128xf32, #tpu.memory_space<hbm>> -> memref<128x128xf32, #tpu.memory_space<hbm>>
        %dma_wait3A_195 = arith.constant 0 : i32
        %dma_wait3A_196 = arith.constant 0 : i32
        %dma_wait3A_197 = tpu.memref_slice %arg4[%dma_wait3A_195, %dma_wait3A_196] : memref<131072x128xf32, #tpu.memory_space<hbm>> -> memref<128x128xf32, #tpu.memory_space<hbm>>
        tpu.wait_dma2 semaphore(%arg18 : memref<!tpu.dma_semaphore, #tpu.memory_space<semaphore_mem>>) src(%arg10 : memref<128x128xf32, #tpu.memory_space<vmem>>) dst(%dma_wait3A_197 : memref<128x128xf32, #tpu.memory_space<hbm>>)
      } else {
      }
      %add3A_115 = arith.constant 2 : i32
      %add3A_116 = arith.addi %add3A_88, %add3A_115 : i32
      %lt3A_117 = arith.constant 33 : i32
      %lt3A_118 = arith.cmpi slt, %add3A_116, %lt3A_117 : i32
      %convert_element_type3A_119 = arith.extui %lt3A_118 : i1 to i32
      %cond3A_120 = arith.constant 0 : i32
      %cond3A_121 = arith.cmpi ne, %convert_element_type3A_119, %cond3A_120 : i32
      scf.if %cond3A_121 {
        %add3A_192 = arith.constant 2 : i32
        %add3A_193 = arith.addi %add3A_88, %add3A_192 : i32
        %dma_start3A_194 = arith.constant 0 : i32
        %dma_start3A_195 = tpu.memref_slice %arg6[%add3A_193, %dma_start3A_194] : memref<33x128xi32, #tpu.memory_space<vmem>> -> memref<1x128xi32, #tpu.memory_space<vmem>>
        %dma_start3A_196 = tpu.memref_squeeze %dma_start3A_195 : memref<1x128xi32, #tpu.memory_space<vmem>> -> memref<128xi32, #tpu.memory_space<vmem>>
        %dma_start3A_197 = arith.constant 0 : i32
        %dma_start3A_198 = arith.constant 0 : i32
        %dma_start3A_199 = tpu.memref_slice %arg2[%dma_start3A_197, %dma_start3A_198] : memref<100000x128xf32, #tpu.memory_space<hbm>> -> memref<100000x128xf32, #tpu.memory_space<hbm>>
        tpu.enqueue_indirect_dma source(%dma_start3A_199 : memref<100000x128xf32, #tpu.memory_space<hbm>>) target(%arg10 : memref<128x128xf32, #tpu.memory_space<vmem>>) offsets(%dma_start3A_196 : memref<128xi32, #tpu.memory_space<vmem>>) semaphore(%arg14 : memref<!tpu.dma_semaphore, #tpu.memory_space<semaphore_mem>>)
      } else {
      }
      %add3A_122 = arith.constant 2 : i32
      %add3A_123 = arith.addi %mul3A_57, %add3A_122 : i32
      %dma_wait3A_124 = arith.constant 0 : i32
      %dma_wait3A_125 = tpu.memref_slice %arg6[%add3A_123, %dma_wait3A_124] : memref<33x128xi32, #tpu.memory_space<vmem>> -> memref<1x128xi32, #tpu.memory_space<vmem>>
      %dma_wait3A_126 = tpu.memref_squeeze %dma_wait3A_125 : memref<1x128xi32, #tpu.memory_space<vmem>> -> memref<128xi32, #tpu.memory_space<vmem>>
      %dma_wait3A_127 = arith.constant 0 : i32
      %dma_wait3A_128 = arith.constant 0 : i32
      %dma_wait3A_129 = tpu.memref_slice %arg2[%dma_wait3A_127, %dma_wait3A_128] : memref<100000x128xf32, #tpu.memory_space<hbm>> -> memref<100000x128xf32, #tpu.memory_space<hbm>>
      tpu.wait_indirect_dma semaphore(%arg13 : memref<!tpu.dma_semaphore, #tpu.memory_space<semaphore_mem>>) src(%dma_wait3A_129 : memref<100000x128xf32, #tpu.memory_space<hbm>>) dst(%arg9 : memref<128x128xf32, #tpu.memory_space<vmem>>)
      %lt3A_130 = arith.constant 32 : i32
      %lt3A_131 = arith.cmpi slt, %add3A_123, %lt3A_130 : i32
      %convert_element_type3A_132 = arith.extui %lt3A_131 : i1 to i32
      %cond3A_133 = arith.constant 0 : i32
      %cond3A_134 = arith.cmpi ne, %convert_element_type3A_132, %cond3A_133 : i32
      scf.if %cond3A_134 {
        %mul3A_192 = arith.constant 32 : i32
        %mul3A_193 = arith.muli %add3A, %mul3A_192 : i32
        %add3A_194 = arith.addi %mul3A_193, %add3A_123 : i32
        %mul3A_195 = arith.constant 128 : i32
        %mul3A_196 = arith.muli %add3A_194, %mul3A_195 : i32
        %dma_start3A_197 = arith.constant 0 : i32
        %dma_start3A_198 = tpu.memref_slice %arg4[%mul3A_196, %dma_start3A_197] : memref<131072x128xf32, #tpu.memory_space<hbm>> -> memref<128x128xf32, #tpu.memory_space<hbm>>
        %dma_start3A_199 = arith.constant 0 : i32
        %dma_start3A_200 = tpu.memref_slice %arg4[%mul3A_196, %dma_start3A_199] : memref<131072x128xf32, #tpu.memory_space<hbm>> -> memref<128x128xf32, #tpu.memory_space<hbm>>
        tpu.enqueue_dma source(%arg9 : memref<128x128xf32, #tpu.memory_space<vmem>>) target(%dma_start3A_200 : memref<128x128xf32, #tpu.memory_space<hbm>>) target_semaphore(%arg17 : memref<!tpu.dma_semaphore, #tpu.memory_space<semaphore_mem>>)
      } else {
      }
      %eq3A_135 = arith.constant 32 : i32
      %eq3A_136 = arith.cmpi eq, %add3A_123, %eq3A_135 : i32
      %convert_element_type3A_137 = arith.extui %eq3A_136 : i1 to i32
      %cond3A_138 = arith.constant 0 : i32
      %cond3A_139 = arith.cmpi ne, %convert_element_type3A_137, %cond3A_138 : i32
      scf.if %cond3A_139 {
        %mul3A_192 = arith.constant 128 : i32
        %mul3A_193 = arith.muli %add3A, %mul3A_192 : i32
        %dma_start3A_194 = arith.constant 0 : i32
        %dma_start3A_195 = tpu.memref_slice %arg5[%mul3A_193, %dma_start3A_194] : memref<4096x128xf32, #tpu.memory_space<hbm>> -> memref<128x128xf32, #tpu.memory_space<hbm>>
        %dma_start3A_196 = arith.constant 0 : i32
        %dma_start3A_197 = tpu.memref_slice %arg5[%mul3A_193, %dma_start3A_196] : memref<4096x128xf32, #tpu.memory_space<hbm>> -> memref<128x128xf32, #tpu.memory_space<hbm>>
        tpu.enqueue_dma source(%arg9 : memref<128x128xf32, #tpu.memory_space<vmem>>) target(%dma_start3A_197 : memref<128x128xf32, #tpu.memory_space<hbm>>) target_semaphore(%arg17 : memref<!tpu.dma_semaphore, #tpu.memory_space<semaphore_mem>>)
      } else {
      }
      %add3A_140 = arith.constant 2 : i32
      %add3A_141 = arith.addi %add3A_123, %add3A_140 : i32
      %lt3A_142 = arith.constant 33 : i32
      %lt3A_143 = arith.cmpi slt, %add3A_141, %lt3A_142 : i32
      %ge3A_144 = arith.constant 2 : i32
      %ge3A_145 = arith.cmpi sge, %add3A_123, %ge3A_144 : i32
      %and3A_146 = arith.andi %lt3A_143, %ge3A_145 : i1
      %convert_element_type3A_147 = arith.extui %and3A_146 : i1 to i32
      %cond3A_148 = arith.constant 0 : i32
      %cond3A_149 = arith.cmpi ne, %convert_element_type3A_147, %cond3A_148 : i32
      scf.if %cond3A_149 {
        %dma_wait3A_192 = arith.constant 0 : i32
        %dma_wait3A_193 = arith.constant 0 : i32
        %dma_wait3A_194 = tpu.memref_slice %arg4[%dma_wait3A_192, %dma_wait3A_193] : memref<131072x128xf32, #tpu.memory_space<hbm>> -> memref<128x128xf32, #tpu.memory_space<hbm>>
        %dma_wait3A_195 = arith.constant 0 : i32
        %dma_wait3A_196 = arith.constant 0 : i32
        %dma_wait3A_197 = tpu.memref_slice %arg4[%dma_wait3A_195, %dma_wait3A_196] : memref<131072x128xf32, #tpu.memory_space<hbm>> -> memref<128x128xf32, #tpu.memory_space<hbm>>
        tpu.wait_dma2 semaphore(%arg15 : memref<!tpu.dma_semaphore, #tpu.memory_space<semaphore_mem>>) src(%arg7 : memref<128x128xf32, #tpu.memory_space<vmem>>) dst(%dma_wait3A_197 : memref<128x128xf32, #tpu.memory_space<hbm>>)
      } else {
      }
      %add3A_150 = arith.constant 2 : i32
      %add3A_151 = arith.addi %add3A_123, %add3A_150 : i32
      %lt3A_152 = arith.constant 33 : i32
      %lt3A_153 = arith.cmpi slt, %add3A_151, %lt3A_152 : i32
      %convert_element_type3A_154 = arith.extui %lt3A_153 : i1 to i32
      %cond3A_155 = arith.constant 0 : i32
      %cond3A_156 = arith.cmpi ne, %convert_element_type3A_154, %cond3A_155 : i32
      scf.if %cond3A_156 {
        %add3A_192 = arith.constant 2 : i32
        %add3A_193 = arith.addi %add3A_123, %add3A_192 : i32
        %dma_start3A_194 = arith.constant 0 : i32
        %dma_start3A_195 = tpu.memref_slice %arg6[%add3A_193, %dma_start3A_194] : memref<33x128xi32, #tpu.memory_space<vmem>> -> memref<1x128xi32, #tpu.memory_space<vmem>>
        %dma_start3A_196 = tpu.memref_squeeze %dma_start3A_195 : memref<1x128xi32, #tpu.memory_space<vmem>> -> memref<128xi32, #tpu.memory_space<vmem>>
        %dma_start3A_197 = arith.constant 0 : i32
        %dma_start3A_198 = arith.constant 0 : i32
        %dma_start3A_199 = tpu.memref_slice %arg2[%dma_start3A_197, %dma_start3A_198] : memref<100000x128xf32, #tpu.memory_space<hbm>> -> memref<100000x128xf32, #tpu.memory_space<hbm>>
        tpu.enqueue_indirect_dma source(%dma_start3A_199 : memref<100000x128xf32, #tpu.memory_space<hbm>>) target(%arg7 : memref<128x128xf32, #tpu.memory_space<vmem>>) offsets(%dma_start3A_196 : memref<128xi32, #tpu.memory_space<vmem>>) semaphore(%arg11 : memref<!tpu.dma_semaphore, #tpu.memory_space<semaphore_mem>>)
      } else {
      }
      %add3A_157 = arith.constant 3 : i32
      %add3A_158 = arith.addi %mul3A_57, %add3A_157 : i32
      %dma_wait3A_159 = arith.constant 0 : i32
      %dma_wait3A_160 = tpu.memref_slice %arg6[%add3A_158, %dma_wait3A_159] : memref<33x128xi32, #tpu.memory_space<vmem>> -> memref<1x128xi32, #tpu.memory_space<vmem>>
      %dma_wait3A_161 = tpu.memref_squeeze %dma_wait3A_160 : memref<1x128xi32, #tpu.memory_space<vmem>> -> memref<128xi32, #tpu.memory_space<vmem>>
      %dma_wait3A_162 = arith.constant 0 : i32
      %dma_wait3A_163 = arith.constant 0 : i32
      %dma_wait3A_164 = tpu.memref_slice %arg2[%dma_wait3A_162, %dma_wait3A_163] : memref<100000x128xf32, #tpu.memory_space<hbm>> -> memref<100000x128xf32, #tpu.memory_space<hbm>>
      tpu.wait_indirect_dma semaphore(%arg14 : memref<!tpu.dma_semaphore, #tpu.memory_space<semaphore_mem>>) src(%dma_wait3A_164 : memref<100000x128xf32, #tpu.memory_space<hbm>>) dst(%arg10 : memref<128x128xf32, #tpu.memory_space<vmem>>)
      %lt3A_165 = arith.constant 32 : i32
      %lt3A_166 = arith.cmpi slt, %add3A_158, %lt3A_165 : i32
      %convert_element_type3A_167 = arith.extui %lt3A_166 : i1 to i32
      %cond3A_168 = arith.constant 0 : i32
      %cond3A_169 = arith.cmpi ne, %convert_element_type3A_167, %cond3A_168 : i32
      scf.if %cond3A_169 {
        %mul3A_192 = arith.constant 32 : i32
        %mul3A_193 = arith.muli %add3A, %mul3A_192 : i32
        %add3A_194 = arith.addi %mul3A_193, %add3A_158 : i32
        %mul3A_195 = arith.constant 128 : i32
        %mul3A_196 = arith.muli %add3A_194, %mul3A_195 : i32
        %dma_start3A_197 = arith.constant 0 : i32
        %dma_start3A_198 = tpu.memref_slice %arg4[%mul3A_196, %dma_start3A_197] : memref<131072x128xf32, #tpu.memory_space<hbm>> -> memref<128x128xf32, #tpu.memory_space<hbm>>
        %dma_start3A_199 = arith.constant 0 : i32
        %dma_start3A_200 = tpu.memref_slice %arg4[%mul3A_196, %dma_start3A_199] : memref<131072x128xf32, #tpu.memory_space<hbm>> -> memref<128x128xf32, #tpu.memory_space<hbm>>
        tpu.enqueue_dma source(%arg10 : memref<128x128xf32, #tpu.memory_space<vmem>>) target(%dma_start3A_200 : memref<128x128xf32, #tpu.memory_space<hbm>>) target_semaphore(%arg18 : memref<!tpu.dma_semaphore, #tpu.memory_space<semaphore_mem>>)
      } else {
      }
      %eq3A_170 = arith.constant 32 : i32
      %eq3A_171 = arith.cmpi eq, %add3A_158, %eq3A_170 : i32
      %convert_element_type3A_172 = arith.extui %eq3A_171 : i1 to i32
      %cond3A_173 = arith.constant 0 : i32
      %cond3A_174 = arith.cmpi ne, %convert_element_type3A_172, %cond3A_173 : i32
      scf.if %cond3A_174 {
        %mul3A_192 = arith.constant 128 : i32
        %mul3A_193 = arith.muli %add3A, %mul3A_192 : i32
        %dma_start3A_194 = arith.constant 0 : i32
        %dma_start3A_195 = tpu.memref_slice %arg5[%mul3A_193, %dma_start3A_194] : memref<4096x128xf32, #tpu.memory_space<hbm>> -> memref<128x128xf32, #tpu.memory_space<hbm>>
        %dma_start3A_196 = arith.constant 0 : i32
        %dma_start3A_197 = tpu.memref_slice %arg5[%mul3A_193, %dma_start3A_196] : memref<4096x128xf32, #tpu.memory_space<hbm>> -> memref<128x128xf32, #tpu.memory_space<hbm>>
        tpu.enqueue_dma source(%arg10 : memref<128x128xf32, #tpu.memory_space<vmem>>) target(%dma_start3A_197 : memref<128x128xf32, #tpu.memory_space<hbm>>) target_semaphore(%arg18 : memref<!tpu.dma_semaphore, #tpu.memory_space<semaphore_mem>>)
      } else {
      }
      %add3A_175 = arith.constant 2 : i32
      %add3A_176 = arith.addi %add3A_158, %add3A_175 : i32
      %lt3A_177 = arith.constant 33 : i32
      %lt3A_178 = arith.cmpi slt, %add3A_176, %lt3A_177 : i32
      %ge3A_179 = arith.constant 2 : i32
      %ge3A_180 = arith.cmpi sge, %add3A_158, %ge3A_179 : i32
      %and3A_181 = arith.andi %lt3A_178, %ge3A_180 : i1
      %convert_element_type3A_182 = arith.extui %and3A_181 : i1 to i32
      %cond3A_183 = arith.constant 0 : i32
      %cond3A_184 = arith.cmpi ne, %convert_element_type3A_182, %cond3A_183 : i32
      scf.if %cond3A_184 {
        %dma_wait3A_192 = arith.constant 0 : i32
        %dma_wait3A_193 = arith.constant 0 : i32
        %dma_wait3A_194 = tpu.memref_slice %arg4[%dma_wait3A_192, %dma_wait3A_193] : memref<131072x128xf32, #tpu.memory_space<hbm>> -> memref<128x128xf32, #tpu.memory_space<hbm>>
        %dma_wait3A_195 = arith.constant 0 : i32
        %dma_wait3A_196 = arith.constant 0 : i32
        %dma_wait3A_197 = tpu.memref_slice %arg4[%dma_wait3A_195, %dma_wait3A_196] : memref<131072x128xf32, #tpu.memory_space<hbm>> -> memref<128x128xf32, #tpu.memory_space<hbm>>
        tpu.wait_dma2 semaphore(%arg16 : memref<!tpu.dma_semaphore, #tpu.memory_space<semaphore_mem>>) src(%arg8 : memref<128x128xf32, #tpu.memory_space<vmem>>) dst(%dma_wait3A_197 : memref<128x128xf32, #tpu.memory_space<hbm>>)
      } else {
      }
      %add3A_185 = arith.constant 2 : i32
      %add3A_186 = arith.addi %add3A_158, %add3A_185 : i32
      %lt3A_187 = arith.constant 33 : i32
      %lt3A_188 = arith.cmpi slt, %add3A_186, %lt3A_187 : i32
      %convert_element_type3A_189 = arith.extui %lt3A_188 : i1 to i32
      %cond3A_190 = arith.constant 0 : i32
      %cond3A_191 = arith.cmpi ne, %convert_element_type3A_189, %cond3A_190 : i32
      scf.if %cond3A_191 {
        %add3A_192 = arith.constant 2 : i32
        %add3A_193 = arith.addi %add3A_158, %add3A_192 : i32
        %dma_start3A_194 = arith.constant 0 : i32
        %dma_start3A_195 = tpu.memref_slice %arg6[%add3A_193, %dma_start3A_194] : memref<33x128xi32, #tpu.memory_space<vmem>> -> memref<1x128xi32, #tpu.memory_space<vmem>>
        %dma_start3A_196 = tpu.memref_squeeze %dma_start3A_195 : memref<1x128xi32, #tpu.memory_space<vmem>> -> memref<128xi32, #tpu.memory_space<vmem>>
        %dma_start3A_197 = arith.constant 0 : i32
        %dma_start3A_198 = arith.constant 0 : i32
        %dma_start3A_199 = tpu.memref_slice %arg2[%dma_start3A_197, %dma_start3A_198] : memref<100000x128xf32, #tpu.memory_space<hbm>> -> memref<100000x128xf32, #tpu.memory_space<hbm>>
        tpu.enqueue_indirect_dma source(%dma_start3A_199 : memref<100000x128xf32, #tpu.memory_space<hbm>>) target(%arg8 : memref<128x128xf32, #tpu.memory_space<vmem>>) offsets(%dma_start3A_196 : memref<128xi32, #tpu.memory_space<vmem>>) semaphore(%arg12 : memref<!tpu.dma_semaphore, #tpu.memory_space<semaphore_mem>>)
      } else {
      }
    }
    %scan3A_18 = arith.constant 8 : i32
    %dma_wait3A = arith.constant 32 : i32
    %dma_wait3A_19 = arith.constant 0 : i32
    %dma_wait3A_20 = tpu.memref_slice %arg6[%dma_wait3A, %dma_wait3A_19] : memref<33x128xi32, #tpu.memory_space<vmem>> -> memref<1x128xi32, #tpu.memory_space<vmem>>
    %dma_wait3A_21 = tpu.memref_squeeze %dma_wait3A_20 : memref<1x128xi32, #tpu.memory_space<vmem>> -> memref<128xi32, #tpu.memory_space<vmem>>
    %dma_wait3A_22 = arith.constant 0 : i32
    %dma_wait3A_23 = arith.constant 0 : i32
    %dma_wait3A_24 = tpu.memref_slice %arg2[%dma_wait3A_22, %dma_wait3A_23] : memref<100000x128xf32, #tpu.memory_space<hbm>> -> memref<100000x128xf32, #tpu.memory_space<hbm>>
    tpu.wait_indirect_dma semaphore(%arg11 : memref<!tpu.dma_semaphore, #tpu.memory_space<semaphore_mem>>) src(%dma_wait3A_24 : memref<100000x128xf32, #tpu.memory_space<hbm>>) dst(%arg7 : memref<128x128xf32, #tpu.memory_space<vmem>>)
    %mul3A_25 = arith.constant 128 : i32
    %mul3A_26 = arith.muli %add3A, %mul3A_25 : i32
    %dma_start3A_27 = arith.constant 0 : i32
    %dma_start3A_28 = tpu.memref_slice %arg5[%mul3A_26, %dma_start3A_27] : memref<4096x128xf32, #tpu.memory_space<hbm>> -> memref<128x128xf32, #tpu.memory_space<hbm>>
    %dma_start3A_29 = arith.constant 0 : i32
    %dma_start3A_30 = tpu.memref_slice %arg5[%mul3A_26, %dma_start3A_29] : memref<4096x128xf32, #tpu.memory_space<hbm>> -> memref<128x128xf32, #tpu.memory_space<hbm>>
    tpu.enqueue_dma source(%arg7 : memref<128x128xf32, #tpu.memory_space<vmem>>) target(%dma_start3A_30 : memref<128x128xf32, #tpu.memory_space<hbm>>) target_semaphore(%arg15 : memref<!tpu.dma_semaphore, #tpu.memory_space<semaphore_mem>>)
    %dma_wait3A_31 = arith.constant 0 : i32
    %dma_wait3A_32 = arith.constant 0 : i32
    %dma_wait3A_33 = tpu.memref_slice %arg4[%dma_wait3A_31, %dma_wait3A_32] : memref<131072x128xf32, #tpu.memory_space<hbm>> -> memref<128x128xf32, #tpu.memory_space<hbm>>
    %dma_wait3A_34 = arith.constant 0 : i32
    %dma_wait3A_35 = arith.constant 0 : i32
    %dma_wait3A_36 = tpu.memref_slice %arg4[%dma_wait3A_34, %dma_wait3A_35] : memref<131072x128xf32, #tpu.memory_space<hbm>> -> memref<128x128xf32, #tpu.memory_space<hbm>>
    tpu.wait_dma2 semaphore(%arg15 : memref<!tpu.dma_semaphore, #tpu.memory_space<semaphore_mem>>) src(%arg7 : memref<128x128xf32, #tpu.memory_space<vmem>>) dst(%dma_wait3A_36 : memref<128x128xf32, #tpu.memory_space<hbm>>)
    %dma_wait3A_37 = arith.constant 0 : i32
    %dma_wait3A_38 = arith.constant 0 : i32
    %dma_wait3A_39 = tpu.memref_slice %arg4[%dma_wait3A_37, %dma_wait3A_38] : memref<131072x128xf32, #tpu.memory_space<hbm>> -> memref<128x128xf32, #tpu.memory_space<hbm>>
    %dma_wait3A_40 = arith.constant 0 : i32
    %dma_wait3A_41 = arith.constant 0 : i32
    %dma_wait3A_42 = tpu.memref_slice %arg4[%dma_wait3A_40, %dma_wait3A_41] : memref<131072x128xf32, #tpu.memory_space<hbm>> -> memref<128x128xf32, #tpu.memory_space<hbm>>
    tpu.wait_dma2 semaphore(%arg16 : memref<!tpu.dma_semaphore, #tpu.memory_space<semaphore_mem>>) src(%arg8 : memref<128x128xf32, #tpu.memory_space<vmem>>) dst(%dma_wait3A_42 : memref<128x128xf32, #tpu.memory_space<hbm>>)
    %dma_wait3A_43 = arith.constant 0 : i32
    %dma_wait3A_44 = arith.constant 0 : i32
    %dma_wait3A_45 = tpu.memref_slice %arg4[%dma_wait3A_43, %dma_wait3A_44] : memref<131072x128xf32, #tpu.memory_space<hbm>> -> memref<128x128xf32, #tpu.memory_space<hbm>>
    %dma_wait3A_46 = arith.constant 0 : i32
    %dma_wait3A_47 = arith.constant 0 : i32
    %dma_wait3A_48 = tpu.memref_slice %arg4[%dma_wait3A_46, %dma_wait3A_47] : memref<131072x128xf32, #tpu.memory_space<hbm>> -> memref<128x128xf32, #tpu.memory_space<hbm>>
    tpu.wait_dma2 semaphore(%arg17 : memref<!tpu.dma_semaphore, #tpu.memory_space<semaphore_mem>>) src(%arg9 : memref<128x128xf32, #tpu.memory_space<vmem>>) dst(%dma_wait3A_48 : memref<128x128xf32, #tpu.memory_space<hbm>>)
    %dma_wait3A_49 = arith.constant 0 : i32
    %dma_wait3A_50 = arith.constant 0 : i32
    %dma_wait3A_51 = tpu.memref_slice %arg4[%dma_wait3A_49, %dma_wait3A_50] : memref<131072x128xf32, #tpu.memory_space<hbm>> -> memref<128x128xf32, #tpu.memory_space<hbm>>
    %dma_wait3A_52 = arith.constant 0 : i32
    %dma_wait3A_53 = arith.constant 0 : i32
    %dma_wait3A_54 = tpu.memref_slice %arg4[%dma_wait3A_52, %dma_wait3A_53] : memref<131072x128xf32, #tpu.memory_space<hbm>> -> memref<128x128xf32, #tpu.memory_space<hbm>>
    tpu.wait_dma2 semaphore(%arg18 : memref<!tpu.dma_semaphore, #tpu.memory_space<semaphore_mem>>) src(%arg10 : memref<128x128xf32, #tpu.memory_space<vmem>>) dst(%dma_wait3A_54 : memref<128x128xf32, #tpu.memory_space<hbm>>)
    return
  }
}

module attributes {stable_mosaic.version = 14 : i64} {
  func.func @_tc_body(%arg0: i32, %arg1: memref<128x128xf32, #tpu.memory_space<vmem>>, %arg2: memref<128x32x128xf32, #tpu.memory_space<vmem>>, %arg3: memref<128x32x1xf32, #tpu.memory_space<vmem>>, %arg4: memref<128x32x1xi32, #tpu.memory_space<vmem>>, %arg5: memref<128x32x16xf32, #tpu.memory_space<vmem>>, %arg6: memref<1x1x100xf32, #tpu.memory_space<vmem>>, %arg7: memref<1x1x100xf32, #tpu.memory_space<vmem>>, %arg8: memref<128x228xf32, #tpu.memory_space<vmem>>, %arg9: memref<100x228xf32, #tpu.memory_space<vmem>>, %arg10: memref<128x228xbf16, #tpu.memory_space<vmem>>, %arg11: memref<16x228xbf16, #tpu.memory_space<vmem>>, %arg12: memref<100x228xbf16, #tpu.memory_space<vmem>>, %arg13: memref<128x228xbf16, #tpu.memory_space<vmem>>, %arg14: memref<16x228xbf16, #tpu.memory_space<vmem>>, %arg15: memref<100x228xbf16, #tpu.memory_space<vmem>>, %arg16: memref<228x228xf32, #tpu.memory_space<vmem>>, %arg17: memref<228x128xf32, #tpu.memory_space<vmem>>, %arg18: memref<128x128xf32, #tpu.memory_space<vmem>>, %arg19: memref<1x128xf32, #tpu.memory_space<vmem>>, %arg20: memref<128x128xf32, #tpu.memory_space<vmem>>, %arg21: memref<1x128xf32, #tpu.memory_space<vmem>>, %arg22: memref<128x128xf32, #tpu.memory_space<vmem>>) attributes {dimension_semantics = [#tpu.dimension_semantics<arbitrary>], iteration_bounds = array<i64: 32>, scalar_prefetch = 0 : i64, scratch_operands = 0 : i64, tpu.core_type = #tpu.core_type<tc>, window_params = [{transform_indices = @transform_0, window_bounds = array<i64: 128, 128>}, {transform_indices = @transform_1, window_bounds = array<i64: 128, 32, 128>}, {transform_indices = @transform_2, window_bounds = array<i64: 128, 32, 1>}, {transform_indices = @transform_3, window_bounds = array<i64: 128, 32, 1>}, {transform_indices = @transform_4, window_bounds = array<i64: 128, 32, 16>}, {pipeline_mode = #tpu.pipeline_mode<synchronous>, transform_indices = @transform_5, window_bounds = array<i64: 1, 1, 100>}, {pipeline_mode = #tpu.pipeline_mode<synchronous>, transform_indices = @transform_6, window_bounds = array<i64: 1, 1, 100>}, {pipeline_mode = #tpu.pipeline_mode<synchronous>, transform_indices = @transform_7, window_bounds = array<i64: 128, 228>}, {pipeline_mode = #tpu.pipeline_mode<synchronous>, transform_indices = @transform_8, window_bounds = array<i64: 100, 228>}, {pipeline_mode = #tpu.pipeline_mode<synchronous>, transform_indices = @transform_9, window_bounds = array<i64: 128, 228>}, {pipeline_mode = #tpu.pipeline_mode<synchronous>, transform_indices = @transform_10, window_bounds = array<i64: 16, 228>}, {pipeline_mode = #tpu.pipeline_mode<synchronous>, transform_indices = @transform_11, window_bounds = array<i64: 100, 228>}, {pipeline_mode = #tpu.pipeline_mode<synchronous>, transform_indices = @transform_12, window_bounds = array<i64: 128, 228>}, {pipeline_mode = #tpu.pipeline_mode<synchronous>, transform_indices = @transform_13, window_bounds = array<i64: 16, 228>}, {pipeline_mode = #tpu.pipeline_mode<synchronous>, transform_indices = @transform_14, window_bounds = array<i64: 100, 228>}, {pipeline_mode = #tpu.pipeline_mode<synchronous>, transform_indices = @transform_15, window_bounds = array<i64: 228, 228>}, {pipeline_mode = #tpu.pipeline_mode<synchronous>, transform_indices = @transform_16, window_bounds = array<i64: 228, 128>}, {pipeline_mode = #tpu.pipeline_mode<synchronous>, transform_indices = @transform_17, window_bounds = array<i64: 128, 128>}, {pipeline_mode = #tpu.pipeline_mode<synchronous>, transform_indices = @transform_18, window_bounds = array<i64: 1, 128>}, {pipeline_mode = #tpu.pipeline_mode<synchronous>, transform_indices = @transform_19, window_bounds = array<i64: 128, 128>}, {pipeline_mode = #tpu.pipeline_mode<synchronous>, transform_indices = @transform_20, window_bounds = array<i64: 1, 128>}, {transform_indices = @transform_21, window_bounds = array<i64: 128, 128>}]} {
    %get3A = arith.constant 0 : index
    %get3A_0 = arith.constant 0 : index
    %get3A_1 = vector.load %arg1[%get3A, %get3A_0] : memref<128x128xf32, #tpu.memory_space<vmem>>, vector<128x128xf32>
    %get3A_2 = arith.constant 0 : index
    %get3A_3 = arith.constant 0 : index
    %get3A_4 = arith.constant 0 : index
    %get3A_5 = vector.load %arg2[%get3A_2, %get3A_3, %get3A_4] : memref<128x32x128xf32, #tpu.memory_space<vmem>>, vector<128x32x128xf32>
    %reshape3A = vector.shape_cast %get3A_5 : vector<128x32x128xf32> to vector<4096x128xf32>
    %get3A_6 = arith.constant 0 : index
    %get3A_7 = arith.constant 0 : index
    %get3A_8 = arith.constant 0 : index
    %get3A_9 = vector.load %arg5[%get3A_6, %get3A_7, %get3A_8] : memref<128x32x16xf32, #tpu.memory_space<vmem>>, vector<128x32x16xf32>
    %reshape3A_10 = vector.shape_cast %get3A_9 : vector<128x32x16xf32> to vector<4096x16xf32>
    %get3A_11 = arith.constant 0 : index
    %get3A_12 = arith.constant 0 : index
    %get3A_13 = arith.constant 0 : index
    %get3A_14 = vector.load %arg6[%get3A_11, %get3A_12, %get3A_13] : memref<1x1x100xf32, #tpu.memory_space<vmem>>, vector<1x1x100xf32>
    %get3A_15 = arith.constant 0 : index
    %get3A_16 = arith.constant 0 : index
    %get3A_17 = arith.constant 0 : index
    %get3A_18 = vector.load %arg7[%get3A_15, %get3A_16, %get3A_17] : memref<1x1x100xf32, #tpu.memory_space<vmem>>, vector<1x1x100xf32>
    %get3A_19 = arith.constant 0 : index
    %get3A_20 = arith.constant 0 : index
    %get3A_21 = arith.constant 0 : index
    %get3A_22 = vector.load %arg3[%get3A_19, %get3A_20, %get3A_21] : memref<128x32x1xf32, #tpu.memory_space<vmem>>, vector<128x32x1xf32>
    %mul3A = vector.broadcast %get3A_22 : vector<128x32x1xf32> to vector<128x32x100xf32>
    %mul3A_23 = vector.broadcast %get3A_14 : vector<1x1x100xf32> to vector<128x32x100xf32>
    %mul3A_24 = arith.mulf %mul3A, %mul3A_23 : vector<128x32x100xf32>
    %add3A = vector.broadcast %get3A_18 : vector<1x1x100xf32> to vector<128x32x100xf32>
    %add3A_25 = arith.addf %mul3A_24, %add3A : vector<128x32x100xf32>
    %mul3A_26 = arith.constant 0.159154937 : f32
    %mul3A_27 = vector.broadcast %mul3A_26 : f32 to vector<128x32x100xf32>
    %mul3A_28 = arith.mulf %add3A_25, %mul3A_27 : vector<128x32x100xf32>
    %round3A = math.roundeven %mul3A_28 : vector<128x32x100xf32>
    %mul3A_29 = arith.constant 6.28318548 : f32
    %mul3A_30 = vector.broadcast %mul3A_29 : f32 to vector<128x32x100xf32>
    %mul3A_31 = arith.mulf %round3A, %mul3A_30 : vector<128x32x100xf32>
    %sub3A = arith.subf %add3A_25, %mul3A_31 : vector<128x32x100xf32>
    %mul3A_32 = arith.mulf %sub3A, %sub3A : vector<128x32x100xf32>
    %mul3A_33 = arith.constant -2.20636892E-7 : f32
    %mul3A_34 = vector.broadcast %mul3A_33 : f32 to vector<128x32x100xf32>
    %mul3A_35 = arith.mulf %mul3A_34, %mul3A_32 : vector<128x32x100xf32>
    %add3A_36 = arith.constant 2.42265687E-5 : f32
    %add3A_37 = vector.broadcast %add3A_36 : f32 to vector<128x32x100xf32>
    %add3A_38 = arith.addf %mul3A_35, %add3A_37 : vector<128x32x100xf32>
    %mul3A_39 = arith.mulf %add3A_38, %mul3A_32 : vector<128x32x100xf32>
    %add3A_40 = arith.constant -0.00138609903 : f32
    %add3A_41 = vector.broadcast %add3A_40 : f32 to vector<128x32x100xf32>
    %add3A_42 = arith.addf %mul3A_39, %add3A_41 : vector<128x32x100xf32>
    %mul3A_43 = arith.mulf %add3A_42, %mul3A_32 : vector<128x32x100xf32>
    %add3A_44 = arith.constant 0.0416606478 : f32
    %add3A_45 = vector.broadcast %add3A_44 : f32 to vector<128x32x100xf32>
    %add3A_46 = arith.addf %mul3A_43, %add3A_45 : vector<128x32x100xf32>
    %mul3A_47 = arith.mulf %add3A_46, %mul3A_32 : vector<128x32x100xf32>
    %add3A_48 = arith.constant -0.49999553 : f32
    %add3A_49 = vector.broadcast %add3A_48 : f32 to vector<128x32x100xf32>
    %add3A_50 = arith.addf %mul3A_47, %add3A_49 : vector<128x32x100xf32>
    %mul3A_51 = arith.mulf %add3A_50, %mul3A_32 : vector<128x32x100xf32>
    %add3A_52 = arith.constant 0.999999642 : f32
    %add3A_53 = vector.broadcast %add3A_52 : f32 to vector<128x32x100xf32>
    %add3A_54 = arith.addf %mul3A_51, %add3A_53 : vector<128x32x100xf32>
    %reshape3A_55 = vector.shape_cast %add3A_54 : vector<128x32x100xf32> to vector<4096x100xf32>
    %cos3A = math.cos %get3A_18 : vector<1x1x100xf32>
    %reshape3A_56 = vector.shape_cast %cos3A : vector<1x1x100xf32> to vector<1x100xf32>
    %convert_element_type3A = arith.truncf %reshape3A : vector<4096x128xf32> to vector<4096x128xbf16>
    %convert_element_type3A_57 = arith.truncf %reshape3A_10 : vector<4096x16xf32> to vector<4096x16xbf16>
    %convert_element_type3A_58 = arith.truncf %reshape3A_55 : vector<4096x100xf32> to vector<4096x100xbf16>
    %get3A_59 = arith.constant 0 : index
    %get3A_60 = arith.constant 0 : index
    %get3A_61 = vector.load %arg8[%get3A_59, %get3A_60] : memref<128x228xf32, #tpu.memory_space<vmem>>, vector<128x228xf32>
    %dot_general3A = arith.constant dense<0.000000e+00> : vector<128x228xf32>
    %dot_general3A_62 = tpu.matmul %get3A_1, %get3A_61, %dot_general3A {dimension_numbers = #tpu.dot_dimension_numbers<[1], [0], [0], [1], [0, 0, 1, 1], [], []>, transpose_lhs_hint = false} : vector<128x128xf32>, vector<128x228xf32>, vector<128x228xf32> -> vector<128x228xf32>
    %get3A_63 = arith.constant 0 : index
    %get3A_64 = arith.constant 0 : index
    %get3A_65 = vector.load %arg9[%get3A_63, %get3A_64] : memref<100x228xf32, #tpu.memory_space<vmem>>, vector<100x228xf32>
    %dot_general3A_66 = arith.constant dense<0.000000e+00> : vector<1x228xf32>
    %dot_general3A_67 = tpu.matmul %reshape3A_56, %get3A_65, %dot_general3A_66 {dimension_numbers = #tpu.dot_dimension_numbers<[1], [0], [0], [1], [0, 0, 1, 1], [], []>, transpose_lhs_hint = false} : vector<1x100xf32>, vector<100x228xf32>, vector<1x228xf32> -> vector<1x228xf32>
    %add3A_68 = vector.broadcast %dot_general3A_67 : vector<1x228xf32> to vector<128x228xf32>
    %add3A_69 = arith.addf %dot_general3A_62, %add3A_68 : vector<128x228xf32>
    %get3A_70 = arith.constant 0 : index
    %get3A_71 = arith.constant 0 : index
    %get3A_72 = vector.load %arg10[%get3A_70, %get3A_71] : memref<128x228xbf16, #tpu.memory_space<vmem>>, vector<128x228xbf16>
    %dot_general3A_73 = arith.constant dense<0.000000e+00> : vector<4096x228xf32>
    %dot_general3A_74 = tpu.matmul %convert_element_type3A, %get3A_72, %dot_general3A_73 {dimension_numbers = #tpu.dot_dimension_numbers<[1], [0], [0], [1], [0, 0, 1, 1], [], []>, transpose_lhs_hint = false} : vector<4096x128xbf16>, vector<128x228xbf16>, vector<4096x228xf32> -> vector<4096x228xf32>
    %get3A_75 = arith.constant 0 : index
    %get3A_76 = arith.constant 0 : index
    %get3A_77 = vector.load %arg11[%get3A_75, %get3A_76] : memref<16x228xbf16, #tpu.memory_space<vmem>>, vector<16x228xbf16>
    %dot_general3A_78 = arith.constant dense<0.000000e+00> : vector<4096x228xf32>
    %dot_general3A_79 = tpu.matmul %convert_element_type3A_57, %get3A_77, %dot_general3A_78 {dimension_numbers = #tpu.dot_dimension_numbers<[1], [0], [0], [1], [0, 0, 1, 1], [], []>, transpose_lhs_hint = false} : vector<4096x16xbf16>, vector<16x228xbf16>, vector<4096x228xf32> -> vector<4096x228xf32>
    %add3A_80 = arith.addf %dot_general3A_74, %dot_general3A_79 : vector<4096x228xf32>
    %get3A_81 = arith.constant 0 : index
    %get3A_82 = arith.constant 0 : index
    %get3A_83 = vector.load %arg12[%get3A_81, %get3A_82] : memref<100x228xbf16, #tpu.memory_space<vmem>>, vector<100x228xbf16>
    %dot_general3A_84 = arith.constant dense<0.000000e+00> : vector<4096x228xf32>
    %dot_general3A_85 = tpu.matmul %convert_element_type3A_58, %get3A_83, %dot_general3A_84 {dimension_numbers = #tpu.dot_dimension_numbers<[1], [0], [0], [1], [0, 0, 1, 1], [], []>, transpose_lhs_hint = false} : vector<4096x100xbf16>, vector<100x228xbf16>, vector<4096x228xf32> -> vector<4096x228xf32>
    %add3A_86 = arith.addf %add3A_80, %dot_general3A_85 : vector<4096x228xf32>
    %get3A_87 = arith.constant 0 : index
    %get3A_88 = arith.constant 0 : index
    %get3A_89 = vector.load %arg13[%get3A_87, %get3A_88] : memref<128x228xbf16, #tpu.memory_space<vmem>>, vector<128x228xbf16>
    %dot_general3A_90 = arith.constant dense<0.000000e+00> : vector<4096x228xf32>
    %dot_general3A_91 = tpu.matmul %convert_element_type3A, %get3A_89, %dot_general3A_90 {dimension_numbers = #tpu.dot_dimension_numbers<[1], [0], [0], [1], [0, 0, 1, 1], [], []>, transpose_lhs_hint = false} : vector<4096x128xbf16>, vector<128x228xbf16>, vector<4096x228xf32> -> vector<4096x228xf32>
    %get3A_92 = arith.constant 0 : index
    %get3A_93 = arith.constant 0 : index
    %get3A_94 = vector.load %arg14[%get3A_92, %get3A_93] : memref<16x228xbf16, #tpu.memory_space<vmem>>, vector<16x228xbf16>
    %dot_general3A_95 = arith.constant dense<0.000000e+00> : vector<4096x228xf32>
    %dot_general3A_96 = tpu.matmul %convert_element_type3A_57, %get3A_94, %dot_general3A_95 {dimension_numbers = #tpu.dot_dimension_numbers<[1], [0], [0], [1], [0, 0, 1, 1], [], []>, transpose_lhs_hint = false} : vector<4096x16xbf16>, vector<16x228xbf16>, vector<4096x228xf32> -> vector<4096x228xf32>
    %add3A_97 = arith.addf %dot_general3A_91, %dot_general3A_96 : vector<4096x228xf32>
    %get3A_98 = arith.constant 0 : index
    %get3A_99 = arith.constant 0 : index
    %get3A_100 = vector.load %arg15[%get3A_98, %get3A_99] : memref<100x228xbf16, #tpu.memory_space<vmem>>, vector<100x228xbf16>
    %dot_general3A_101 = arith.constant dense<0.000000e+00> : vector<4096x228xf32>
    %dot_general3A_102 = tpu.matmul %convert_element_type3A_58, %get3A_100, %dot_general3A_101 {dimension_numbers = #tpu.dot_dimension_numbers<[1], [0], [0], [1], [0, 0, 1, 1], [], []>, transpose_lhs_hint = false} : vector<4096x100xbf16>, vector<100x228xbf16>, vector<4096x228xf32> -> vector<4096x228xf32>
    %add3A_103 = arith.addf %add3A_97, %dot_general3A_102 : vector<4096x228xf32>
    %reshape3A_104 = vector.shape_cast %add3A_86 : vector<4096x228xf32> to vector<128x32x228xf32>
    %broadcast_in_dim3A = vector.shape_cast %add3A_69 : vector<128x228xf32> to vector<128x1x228xf32>
    %mul3A_105 = vector.broadcast %broadcast_in_dim3A : vector<128x1x228xf32> to vector<128x32x228xf32>
    %mul3A_106 = arith.mulf %mul3A_105, %reshape3A_104 : vector<128x32x228xf32>
    %convert_element_type3A_107 = arith.truncf %mul3A_106 : vector<128x32x228xf32> to vector<128x32x228xbf16>
    %reshape3A_108 = vector.shape_cast %convert_element_type3A_107 : vector<128x32x228xbf16> to vector<4096x228xbf16>
    %iota3A = tpu.iota {dimensions = array<i32: 0>} : vector<228x228xi32>
    %iota3A_109 = tpu.iota {dimensions = array<i32: 1>} : vector<228x228xi32>
    %lt3A = arith.constant 114 : i32
    %lt3A_110 = vector.broadcast %lt3A : i32 to vector<228x228xi32>
    %lt3A_111 = arith.cmpi slt, %iota3A, %lt3A_110 : vector<228x228xi32>
    %lt3A_112 = arith.constant 114 : i32
    %lt3A_113 = vector.broadcast %lt3A_112 : i32 to vector<228x228xi32>
    %lt3A_114 = arith.cmpi slt, %iota3A_109, %lt3A_113 : vector<228x228xi32>
    %eq3A = arith.xori %lt3A_111, %lt3A_114 : vector<228x228xi1>
    %eq3A_115 = arith.constant dense<true> : vector<228x228xi1>
    %eq3A_116 = arith.xori %eq3A, %eq3A_115 : vector<228x228xi1>
    %convert_element_type3A_117 = arith.extui %eq3A_116 : vector<228x228xi1> to vector<228x228xi32>
    %convert_element_type3A_118 = arith.sitofp %convert_element_type3A_117 : vector<228x228xi32> to vector<228x228xf32>
    %convert_element_type3A_119 = arith.truncf %convert_element_type3A_118 : vector<228x228xf32> to vector<228x228xbf16>
    %dot_general3A_120 = arith.constant dense<0.000000e+00> : vector<4096x228xf32>
    %dot_general3A_121 = tpu.matmul %reshape3A_108, %convert_element_type3A_119, %dot_general3A_120 {dimension_numbers = #tpu.dot_dimension_numbers<[1], [0], [0], [1], [0, 0, 1, 1], [], []>, transpose_lhs_hint = false} : vector<4096x228xbf16>, vector<228x228xbf16>, vector<4096x228xf32> -> vector<4096x228xf32>
    %reshape3A_122 = vector.shape_cast %dot_general3A_121 : vector<4096x228xf32> to vector<128x32x228xf32>
    %get3A_123 = arith.constant 0 : index
    %get3A_124 = arith.constant 0 : index
    %get3A_125 = arith.constant 0 : index
    %get3A_126 = vector.load %arg4[%get3A_123, %get3A_124, %get3A_125] : memref<128x32x1xi32, #tpu.memory_space<vmem>>, vector<128x32x1xi32>
    %eq3A_127 = arith.constant 0 : i32
    %eq3A_128 = vector.broadcast %eq3A_127 : i32 to vector<128x32x1xi32>
    %eq3A_129 = arith.cmpi eq, %get3A_126, %eq3A_128 : vector<128x32x1xi32>
    %convert_element_type3A_130 = arith.extui %eq3A_129 : vector<128x32x1xi1> to vector<128x32x1xi32>
    %convert_element_type3A_131 = arith.sitofp %convert_element_type3A_130 : vector<128x32x1xi32> to vector<128x32x1xf32>
    %mul3A_132 = arith.constant 1.000000e+09 : f32
    %mul3A_133 = vector.broadcast %mul3A_132 : f32 to vector<128x32x1xf32>
    %mul3A_134 = arith.mulf %convert_element_type3A_131, %mul3A_133 : vector<128x32x1xf32>
    %mul3A_135 = arith.constant 0.0936585814 : f32
    %mul3A_136 = vector.broadcast %mul3A_135 : f32 to vector<128x32x228xf32>
    %mul3A_137 = arith.mulf %reshape3A_122, %mul3A_136 : vector<128x32x228xf32>
    %sub3A_138 = vector.broadcast %mul3A_134 : vector<128x32x1xf32> to vector<128x32x228xf32>
    %sub3A_139 = arith.subf %mul3A_137, %sub3A_138 : vector<128x32x228xf32>
    %reduce_max3A = arith.constant dense<0xFF800000> : vector<128x228xf32>
    %reduce_max3A_140 = vector.multi_reduction <maximumf>, %sub3A_139, %reduce_max3A [1] : vector<128x32x228xf32> to vector<128x228xf32>
    %broadcast_in_dim3A_141 = vector.shape_cast %reduce_max3A_140 : vector<128x228xf32> to vector<128x1x228xf32>
    %sub3A_142 = vector.broadcast %broadcast_in_dim3A_141 : vector<128x1x228xf32> to vector<128x32x228xf32>
    %sub3A_143 = arith.subf %sub3A_139, %sub3A_142 : vector<128x32x228xf32>
    %exp3A = math.exp %sub3A_143 : vector<128x32x228xf32>
    %reduce_sum3A = arith.constant dense<0.000000e+00> : vector<128x228xf32>
    %reduce_sum3A_144 = vector.multi_reduction <add>, %exp3A, %reduce_sum3A [1] : vector<128x32x228xf32> to vector<128x228xf32>
    %reshape3A_145 = vector.shape_cast %add3A_103 : vector<4096x228xf32> to vector<128x32x228xf32>
    %mul3A_146 = arith.mulf %exp3A, %reshape3A_145 : vector<128x32x228xf32>
    %reduce_sum3A_147 = arith.constant dense<0.000000e+00> : vector<128x228xf32>
    %reduce_sum3A_148 = vector.multi_reduction <add>, %mul3A_146, %reduce_sum3A_147 [1] : vector<128x32x228xf32> to vector<128x228xf32>
    %div3A = arith.divf %reduce_sum3A_148, %reduce_sum3A_144 : vector<128x228xf32>
    %get3A_149 = arith.constant 0 : index
    %get3A_150 = arith.constant 0 : index
    %get3A_151 = vector.load %arg16[%get3A_149, %get3A_150] : memref<228x228xf32, #tpu.memory_space<vmem>>, vector<228x228xf32>
    %dot_general3A_152 = arith.constant dense<0.000000e+00> : vector<128x228xf32>
    %dot_general3A_153 = tpu.matmul %div3A, %get3A_151, %dot_general3A_152 {dimension_numbers = #tpu.dot_dimension_numbers<[1], [0], [0], [1], [0, 0, 1, 1], [], []>, transpose_lhs_hint = false} : vector<128x228xf32>, vector<228x228xf32>, vector<128x228xf32> -> vector<128x228xf32>
    %get3A_154 = arith.constant 0 : index
    %get3A_155 = arith.constant 0 : index
    %get3A_156 = vector.load %arg17[%get3A_154, %get3A_155] : memref<228x128xf32, #tpu.memory_space<vmem>>, vector<228x128xf32>
    %dot_general3A_157 = arith.constant dense<0.000000e+00> : vector<128x128xf32>
    %dot_general3A_158 = tpu.matmul %dot_general3A_153, %get3A_156, %dot_general3A_157 {dimension_numbers = #tpu.dot_dimension_numbers<[1], [0], [0], [1], [0, 0, 1, 1], [], []>, transpose_lhs_hint = false} : vector<128x228xf32>, vector<228x128xf32>, vector<128x128xf32> -> vector<128x128xf32>
    %get3A_159 = arith.constant 0 : index
    %get3A_160 = arith.constant 0 : index
    %get3A_161 = vector.load %arg18[%get3A_159, %get3A_160] : memref<128x128xf32, #tpu.memory_space<vmem>>, vector<128x128xf32>
    %dot_general3A_162 = arith.constant dense<0.000000e+00> : vector<128x128xf32>
    %dot_general3A_163 = tpu.matmul %get3A_1, %get3A_161, %dot_general3A_162 {dimension_numbers = #tpu.dot_dimension_numbers<[1], [0], [0], [1], [0, 0, 1, 1], [], []>, transpose_lhs_hint = false} : vector<128x128xf32>, vector<128x128xf32>, vector<128x128xf32> -> vector<128x128xf32>
    %add3A_164 = arith.addf %dot_general3A_158, %dot_general3A_163 : vector<128x128xf32>
    %get3A_165 = arith.constant 0 : index
    %get3A_166 = arith.constant 0 : index
    %get3A_167 = vector.load %arg19[%get3A_165, %get3A_166] : memref<1x128xf32, #tpu.memory_space<vmem>>, vector<1x128xf32>
    %add3A_168 = vector.broadcast %get3A_167 : vector<1x128xf32> to vector<128x128xf32>
    %add3A_169 = arith.addf %add3A_164, %add3A_168 : vector<128x128xf32>
    %max3A = arith.constant 0.000000e+00 : f32
    %max3A_170 = vector.broadcast %max3A : f32 to vector<128x128xf32>
    %max3A_171 = arith.maximumf %add3A_169, %max3A_170 : vector<128x128xf32>
    %get3A_172 = arith.constant 0 : index
    %get3A_173 = arith.constant 0 : index
    %get3A_174 = vector.load %arg20[%get3A_172, %get3A_173] : memref<128x128xf32, #tpu.memory_space<vmem>>, vector<128x128xf32>
    %dot_general3A_175 = arith.constant dense<0.000000e+00> : vector<128x128xf32>
    %dot_general3A_176 = tpu.matmul %max3A_171, %get3A_174, %dot_general3A_175 {dimension_numbers = #tpu.dot_dimension_numbers<[1], [0], [0], [1], [0, 0, 1, 1], [], []>, transpose_lhs_hint = false} : vector<128x128xf32>, vector<128x128xf32>, vector<128x128xf32> -> vector<128x128xf32>
    %get3A_177 = arith.constant 0 : index
    %get3A_178 = arith.constant 0 : index
    %get3A_179 = vector.load %arg21[%get3A_177, %get3A_178] : memref<1x128xf32, #tpu.memory_space<vmem>>, vector<1x128xf32>
    %add3A_180 = vector.broadcast %get3A_179 : vector<1x128xf32> to vector<128x128xf32>
    %add3A_181 = arith.addf %dot_general3A_176, %add3A_180 : vector<128x128xf32>
    %swap3A = arith.constant 0 : index
    %swap3A_182 = arith.constant 0 : index
    %swap3A_183 = vector.load %arg22[%swap3A, %swap3A_182] : memref<128x128xf32, #tpu.memory_space<vmem>>, vector<128x128xf32>
    tpu.vector_store %arg22[%swap3A, %swap3A_182], %add3A_181 {strides = array<i32>} : memref<128x128xf32, #tpu.memory_space<vmem>>, vector<128x128xf32>,
    return
  }
  func.func @transform_0(%arg0: i32) -> (i32, i32) {
    %c0_i32 = arith.constant 0 : i32
    %c0_i32_0 = arith.constant 0 : i32
    return %arg0, %c0_i32 : i32, i32
  }
  func.func @transform_1(%arg0: i32) -> (i32, i32, i32) {
    %c0_i32 = arith.constant 0 : i32
    %c0_i32_0 = arith.constant 0 : i32
    %c0_i32_1 = arith.constant 0 : i32
    return %arg0, %c0_i32, %c0_i32_0 : i32, i32, i32
  }
  func.func @transform_2(%arg0: i32) -> (i32, i32, i32) {
    %c0_i32 = arith.constant 0 : i32
    %c0_i32_0 = arith.constant 0 : i32
    %c0_i32_1 = arith.constant 0 : i32
    return %arg0, %c0_i32, %c0_i32_0 : i32, i32, i32
  }
  func.func @transform_3(%arg0: i32) -> (i32, i32, i32) {
    %c0_i32 = arith.constant 0 : i32
    %c0_i32_0 = arith.constant 0 : i32
    %c0_i32_1 = arith.constant 0 : i32
    return %arg0, %c0_i32, %c0_i32_0 : i32, i32, i32
  }
  func.func @transform_4(%arg0: i32) -> (i32, i32, i32) {
    %c0_i32 = arith.constant 0 : i32
    %c0_i32_0 = arith.constant 0 : i32
    %c0_i32_1 = arith.constant 0 : i32
    return %arg0, %c0_i32, %c0_i32_0 : i32, i32, i32
  }
  func.func @transform_5(%arg0: i32) -> (i32, i32, i32) {
    %c0_i32 = arith.constant 0 : i32
    %c0_i32_0 = arith.constant 0 : i32
    %c0_i32_1 = arith.constant 0 : i32
    %c0_i32_2 = arith.constant 0 : i32
    return %c0_i32, %c0_i32_0, %c0_i32_1 : i32, i32, i32
  }
  func.func @transform_6(%arg0: i32) -> (i32, i32, i32) {
    %c0_i32 = arith.constant 0 : i32
    %c0_i32_0 = arith.constant 0 : i32
    %c0_i32_1 = arith.constant 0 : i32
    %c0_i32_2 = arith.constant 0 : i32
    return %c0_i32, %c0_i32_0, %c0_i32_1 : i32, i32, i32
  }
  func.func @transform_7(%arg0: i32) -> (i32, i32) {
    %c0_i32 = arith.constant 0 : i32
    %c0_i32_0 = arith.constant 0 : i32
    %c0_i32_1 = arith.constant 0 : i32
    return %c0_i32, %c0_i32_0 : i32, i32
  }
  func.func @transform_8(%arg0: i32) -> (i32, i32) {
    %c0_i32 = arith.constant 0 : i32
    %c0_i32_0 = arith.constant 0 : i32
    %c0_i32_1 = arith.constant 0 : i32
    return %c0_i32, %c0_i32_0 : i32, i32
  }
  func.func @transform_9(%arg0: i32) -> (i32, i32) {
    %c0_i32 = arith.constant 0 : i32
    %c0_i32_0 = arith.constant 0 : i32
    %c0_i32_1 = arith.constant 0 : i32
    return %c0_i32, %c0_i32_0 : i32, i32
  }
  func.func @transform_10(%arg0: i32) -> (i32, i32) {
    %c0_i32 = arith.constant 0 : i32
    %c0_i32_0 = arith.constant 0 : i32
    %c0_i32_1 = arith.constant 0 : i32
    return %c0_i32, %c0_i32_0 : i32, i32
  }
  func.func @transform_11(%arg0: i32) -> (i32, i32) {
    %c0_i32 = arith.constant 0 : i32
    %c0_i32_0 = arith.constant 0 : i32
    %c0_i32_1 = arith.constant 0 : i32
    return %c0_i32, %c0_i32_0 : i32, i32
  }
  func.func @transform_12(%arg0: i32) -> (i32, i32) {
    %c0_i32 = arith.constant 0 : i32
    %c0_i32_0 = arith.constant 0 : i32
    %c0_i32_1 = arith.constant 0 : i32
    return %c0_i32, %c0_i32_0 : i32, i32
  }
  func.func @transform_13(%arg0: i32) -> (i32, i32) {
    %c0_i32 = arith.constant 0 : i32
    %c0_i32_0 = arith.constant 0 : i32
    %c0_i32_1 = arith.constant 0 : i32
    return %c0_i32, %c0_i32_0 : i32, i32
  }
  func.func @transform_14(%arg0: i32) -> (i32, i32) {
    %c0_i32 = arith.constant 0 : i32
    %c0_i32_0 = arith.constant 0 : i32
    %c0_i32_1 = arith.constant 0 : i32
    return %c0_i32, %c0_i32_0 : i32, i32
  }
  func.func @transform_15(%arg0: i32) -> (i32, i32) {
    %c0_i32 = arith.constant 0 : i32
    %c0_i32_0 = arith.constant 0 : i32
    %c0_i32_1 = arith.constant 0 : i32
    return %c0_i32, %c0_i32_0 : i32, i32
  }
  func.func @transform_16(%arg0: i32) -> (i32, i32) {
    %c0_i32 = arith.constant 0 : i32
    %c0_i32_0 = arith.constant 0 : i32
    %c0_i32_1 = arith.constant 0 : i32
    return %c0_i32, %c0_i32_0 : i32, i32
  }
  func.func @transform_17(%arg0: i32) -> (i32, i32) {
    %c0_i32 = arith.constant 0 : i32
    %c0_i32_0 = arith.constant 0 : i32
    %c0_i32_1 = arith.constant 0 : i32
    return %c0_i32, %c0_i32_0 : i32, i32
  }
  func.func @transform_18(%arg0: i32) -> (i32, i32) {
    %c0_i32 = arith.constant 0 : i32
    %c0_i32_0 = arith.constant 0 : i32
    %c0_i32_1 = arith.constant 0 : i32
    return %c0_i32, %c0_i32_0 : i32, i32
  }
  func.func @transform_19(%arg0: i32) -> (i32, i32) {
    %c0_i32 = arith.constant 0 : i32
    %c0_i32_0 = arith.constant 0 : i32
    %c0_i32_1 = arith.constant 0 : i32
    return %c0_i32, %c0_i32_0 : i32, i32
  }
  func.func @transform_20(%arg0: i32) -> (i32, i32) {
    %c0_i32 = arith.constant 0 : i32
    %c0_i32_0 = arith.constant 0 : i32
    %c0_i32_1 = arith.constant 0 : i32
    return %c0_i32, %c0_i32_0 : i32, i32
  }
  func.func @transform_21(%arg0: i32) -> (i32, i32) {
    %c0_i32 = arith.constant 0 : i32
    %c0_i32_0 = arith.constant 0 : i32
    return %arg0, %c0_i32 : i32, i32
  }
}

</mosaic_0001>

<sc_bundles>
// kernel: kernel.6.cloned.1.call-start
scs
__scs_entry_jumppad:
0x0: {  	(pc) =	sbr.rel $0x88, $3  }
0x1: {  	(tag) =	ssettag $0x0;
	lr =	simm.s32 $0x1  }
0x2: {  	[smem:$0x3F90] =	sst lr;
	_ =	strace $0xD0000000  }
0x3: {  	_ = 	snop  }
0x4: {  	_ = 	snop  }
0x5: {  	_ = 	snop  }
0x6: {  	_ = 	snop  }
0x7: {  	_ = 	snop  }
__scs_overlays_trampoline_lowered:
0x8: {  	[smem:$0x3F9F] =	sst s0  }
0x9: {  	[smem:$0x3FA0] =	sst s1  }
0xa: {  	[smem:$0x3FA1] =	sst s2  }
0xb: {  	[smem:$0x3FA2] =	sst s3  }
0xc: {  	[smem:$0x3FA3] =	sst s4  }
0xd: {  	[smem:$0x3FA4] =	sst s5  }
0xe: {  	[smem:$0x3FA5] =	sst s6  }
0xf: {  	[smem:$0x3FA6] =	sst s7  }
0x10: {  	[smem:$0x3FA7] =	sst s8  }
0x11: {  	[smem:$0x3FA8] =	sst s9;
	s0 =	simm.s32 @!p0 $0x0  }
0x12: {  	s1 =	sld [smem:$0x3F8E];
	s0 =	simm.s32 @p0 $0x1  }
0x13: {  	[smem:$0x3FA9] =	sst s0;
	s0 =	simm.s32 @!p1 $0x0  }
0x14: {  	s2 =	sld [smem:$0x3F8D];
	s0 =	simm.s32 @p1 $0x1  }
0x15: {  	[smem:$0x3FAA] =	sst s0;
	s0 =	simm.s32 @!p2 $0x0  }
0x16: {  	s3 =	sld [smem:$0x3FDB];
	s0 =	simm.s32 @p2 $0x1  }
0x17: {  	s4 =	simm.s32 $0x1BF5;
	[smem:$0x3FAC] =	sst s0  }
0x18: {  	s0 =	sld [smem:$0x3F8F];
	_ =	swait.ge [sflag:s4], $0x0  }
0x19: {  	s7 =	sld [smem:$0x3F90]  }
0x1a: {  	s8 =	sadd.s32 $0xFFFFE003, lr  }
0x1b: {  	s9 =	sadd.s32 $0xFFFFFEF7, lr;
	s5 =	simm.s32 $0xFFFFFFFF;
	p2 =	slt.u32 s8, $0xFFFFF086  }
0x1c: {  	p1 =	slt.u32 s9, $0xF7A;
	s5 =	simm.s32 @!p2 $0x0  }
0x1d: {  	s5 =	simm.s32 @p1 $0x1;
	p0 =	seq.s32 s7, s2  }
0x1e: {  	s7 =	smul.u32 @!p0 $0xF7A, s2;
	p2 =	seq.s32 @!p0 s5, $0x0  }
0x1f: {  	s9 =	smul.u32 $0xF7A, s1;
	s8 =	simm.s32 @!p0 $0x1BF5;
	p2 =	por !p2, p0  }
0x20: {  	[sflag:s8] =	ssyncset.s32 @!p0 $0xFFFFF086;
	s6 =	sadd.s32 @!p0 s3, s7;
	s7 =	simm.s32 @!p0 $0x108  }
0x21: {  	s3 =	sadd.s32 s3, s9;
	s6 =	sadd.s32 @!p0 $0x88, s6;
	s7 =	simm.s32 @p2 $0x1082  }
0x22: {  	[simem:s7], [sflag:s8] =	dma.local @!p0 [hbm:s6], $0xF7A  }
0x23: {  	s9 =	sor.u32 $0xD0000000, s2;
	s6 =	simm.s32 $0x108;
	_ =	swait.ge @!p0 [sflag:s8], $0x0  }
0x24: {  	s3 =	sadd.s32 $0x88, s3;
	s6 =	simm.s32 @!p1 $0x1082;
	[sflag:s4] =	ssyncset.s32 $0xFFFFF086  }
0x25: {  	[simem:s6], [sflag:s4] =	dma.local [hbm:s3], $0xF7A  }
0x26: {  	[smem:$0x3F90] =	sst s1;
	(tag) =	ssettag s2;
	_ =	strace s9  }
0x27: {  	s1 =	sld [smem:$0x3FA0]  }
0x28: {  	s2 =	sld [smem:$0x3FA1]  }
0x29: {  	s4 =	sld [smem:$0x3FA3]  }
0x2a: {  	p0 =	seq.s32 s5, $0x0;
	s5 =	sld [smem:$0x3FA4]  }
0x2b: {  	s6 =	sld [smem:$0x3FA5]  }
0x2c: {  	s7 =	sld [smem:$0x3FA6]  }
0x2d: {  	s3 =	simm.s32 $0x108;
	s8 =	sld [smem:$0x3FA7]  }
0x2e: {  	s3 =	simm.s32 @!p0 $0x1082;
	s9 =	sld [smem:$0x3FA8]  }
0x2f: {  	lr =	sadd.s32 s0, s3;
	s0 =	sld [smem:$0x3F9F]  }
0x30: {  	s3 =	sld [smem:$0x3FA2]  }
0x31: {  	[smem:$0x3FAB] =	sst s10  }
0x32: {  	s10 =	sld [smem:$0x3FA9];
	_ =	sdelay $0x3  }
0x33: {  	p0 =	seq.s32 s10, $0x1;
	s10 =	sld [smem:$0x3FAB];
	_ =	sdelay $0x3  }
0x34: {  	[smem:$0x3FAB] =	sst s10  }
0x35: {  	s10 =	sld [smem:$0x3FAA];
	_ =	sdelay $0x3  }
0x36: {  	p1 =	seq.s32 s10, $0x1;
	s10 =	sld [smem:$0x3FAB];
	_ =	sdelay $0x3  }
0x37: {  	[smem:$0x3FAB] =	sst s10  }
0x38: {  	s10 =	sld [smem:$0x3FAC]  }
0x39: {  	_ = 	snop;
	(pc) =	sbr.ind lr, $3  }
0x3a: {  	_ = 	snop  }
0x3b: {  	_ = 	snop  }
0x3c: {  	p2 =	seq.s32 s10, $0x1;
	s10 =	sld [smem:$0x3FAB]  }
0x3d: {  	_ =	shalt  }
0x3e: {  	_ =	shalt  }
0x3f: {  	_ =	shalt  }
0x40: {  	_ =	shalt  }
0x41: {  	_ =	shalt  }
0x42: {  	_ =	shalt  }
0x43: {  	_ =	shalt  }
0x44: {  	_ =	shalt  }
0x45: {  	_ =	shalt  }
0x46: {  	_ =	shalt  }
0x47: {  	_ =	shalt  }
0x48: {  	_ =	shalt  }
0x49: {  	_ =	shalt  }
0x4a: {  	_ =	shalt  }
0x4b: {  	_ =	shalt  }
0x4c: {  	_ =	shalt  }
0x4d: {  	_ =	shalt  }
0x4e: {  	_ =	shalt  }
0x4f: {  	_ =	shalt  }
0x50: {  	_ =	shalt  }
0x51: {  	_ =	shalt  }
0x52: {  	_ =	shalt  }
0x53: {  	_ =	shalt  }
0x54: {  	_ =	shalt  }
0x55: {  	_ =	shalt  }
0x56: {  	_ =	shalt  }
0x57: {  	_ =	shalt  }
0x58: {  	_ =	shalt  }
0x59: {  	_ =	shalt  }
0x5a: {  	_ =	shalt  }
0x5b: {  	_ =	shalt  }
0x5c: {  	_ =	shalt  }
0x5d: {  	_ =	shalt  }
0x5e: {  	_ =	shalt  }
0x5f: {  	_ =	shalt  }
0x60: {  	_ =	shalt  }
0x61: {  	_ =	shalt  }
0x62: {  	_ =	shalt  }
0x63: {  	_ =	shalt  }
0x64: {  	_ =	shalt  }
0x65: {  	_ =	shalt  }
0x66: {  	_ =	shalt  }
0x67: {  	_ =	shalt  }
0x68: {  	_ =	shalt  }
0x69: {  	_ =	shalt  }
0x6a: {  	_ =	shalt  }
0x6b: {  	_ =	shalt  }
0x6c: {  	_ =	shalt  }
0x6d: {  	_ =	shalt  }
0x6e: {  	_ =	shalt  }
0x6f: {  	_ =	shalt  }
0x70: {  	_ =	shalt  }
0x71: {  	_ =	shalt  }
0x72: {  	_ =	shalt  }
0x73: {  	_ =	shalt  }
0x74: {  	_ =	shalt  }
0x75: {  	_ =	shalt  }
0x76: {  	_ =	shalt  }
0x77: {  	_ =	shalt  }
0x78: {  	_ =	shalt  }
0x79: {  	_ =	shalt  }
0x7a: {  	_ =	shalt  }
0x7b: {  	_ =	shalt  }
0x7c: {  	_ =	shalt  }
0x7d: {  	_ =	shalt  }
0x7e: {  	_ =	shalt  }
0x7f: {  	_ =	shalt  }
0x80: {  	_ =	shalt  }
0x81: {  	_ =	shalt  }
0x82: {  	_ =	shalt  }
0x83: {  	_ =	shalt  }
0x84: {  	_ =	shalt  }
0x85: {  	_ =	shalt  }
0x86: {  	_ =	shalt  }
0x87: {  	_ =	shalt  }
.Lfunc_end0:
.L_simem_size_0:
called_computation_lowered:
.L_overlay_start_0:
0x88: {  	s2 =	sld [smem:$0x3FD9]  }
0x89: {  	s3 =	sld [smem:$0x3FFE];
	_ =	sdelay $0x1  }
0x8a: {  	s1 =	srdreg.scid  }
0x8b: {  	s0 =	sand.u32 $0x1, s1  }
0x8c: {  	s15 =	sshll.u32 s0, $0xA;
	s2 =	sadd.s32 s3, s2  }
0x8d: {  	s2 =	sadd.s32 s2, s15  }
0x8e: {  	[smem:$0x3FB7] =	sst s2  }
0x8f: {  	_ = 	snop  }
0x90: {  	s16 =	sld [smem:$0x3FD0];
	_ =	sdelay $0x2  }
0x91: {  	s4 =	simm.s32 $0xB;
	s5 =	simm.s32 $0x10;
	s2 =	sld [smem:$0x3FC6]  }
0x92: {  	[smem:s5], [sflag:s4] =	dma.local [hbm:s16], $0x1  }
0x93: {  	_ =	swait.eq [sflag:s4], $0x1  }
0x94: {  	[sflag:s4] =	ssyncset.done $0x0  }
0x95: {  	[sflag:s4] =	ssyncadd.s32 $0xFFFFFFFF  }
0x96: {  	s17 =	sld [smem:$0x10];
	(tm) =	ssettm $0x1  }
0x97: {  	s18 =	sld [smem:$0x3FFB];
	_ =	sdelay $0x3  }
0x98: {  	_ =	strace s18  }
0x99: {  	s3 =	sld [smem:$0x3FFC];
	_ =	sdelay $0x3  }
0x9a: {  	_ =	strace s3  }
0x9b: {  	s3 =	sld [smem:$0x3FFD];
	_ =	sdelay $0x3  }
0x9c: {  	_ =	strace s3  }
0x9d: {  	_ =	strace $0x8FFFFFFF  }
0x9e: {  	s19 =	sld [smem:$0x3FDB];
	_ =	sdelay $0x1  }
0x9f: {  	s20 =	simm.s32 $_scs_section_size  }
0xa0: {  	s6 =	simm.s32 $_size__tile_overlayer_lowered;
	s7 =	simm.s32 $_tile_overlayer_lowered  }
0xa1: {  	s8 =	simm.s32 $0x1BFF;
	s21 =	sshll.u32 s7, $0x1;
	s5 =	sadd.s32 s20, s19  }
0xa2: {  	s22 =	simm.s32 $0x0;
	s6 =	sshll.u32 s6, $0x1;
	s7 =	sadd.s32 s21, s5  }
0xa3: {  	[timem:s22], [sflag:s8] =	dma.local [hbm:s7], s6  }
0xa4: {  	_ =	swait.ge [sflag:s8], s6  }
0xa5: {  	s6 =	ssub.s32 $0x0, s6;
	[sflag:s8] =	ssyncset.done $0x0  }
0xa6: {  	[sflag:s8] =	ssyncadd.s32 s6;
	_ =	sdelay $0x1  }
0xa7: {  	s23 =	simm.s32 $0x1B8B  }
0xa8: {  	_ =	swait.ge [sflag:s23], $0x1  }
0xa9: {  	[sflag:s23] =	ssyncset.done $0x0  }
0xaa: {  	[sflag:s23] =	ssyncadd.s32 $0xFFFFFFFF  }
0xab: {  	s6 =	sld [smem:$0x0]  }
0xac: {  	s7 =	sand.u32 $0xFFFFFFFE, s1  }
0xad: {  	p0 =	sne.s32 s1, s7  }
0xae: {  	s7 =	sshll.u32 @p0 s7, $0xE  }
0xaf: {  	s7 =	sadd.s32 @p0 $0x11B8D, s7;
	s8 =	sshll.u32 @p0 s6, $0x11  }
0xb0: {  	s7 =	sor.u32 @p0 s8, s7  }
0xb1: {  	[sflag:s7] =	ssyncadd.remote.s32 @p0 $0x1;
	_ =	sdelay $0x1  }
0xb2: {  	s7 =	simm.s32 @p0 $0x1B8D  }
0xb3: {  	_ =	swait.eq @p0 [sflag:s7], $0x1  }
0xb4: {  	[sflag:s7] =	ssyncadd.s32 @p0 $0xFFFFFFFF  }
0xb5: {  	s8 =	sshll.u32 @!p0 s1, $0xE  }
0xb6: {  	s8 =	sor.u32 @!p0 $0x4000, s8;
	s7 =	simm.s32 @!p0 $0x1B8D  }
0xb7: {  	s6 =	sshll.u32 @!p0 s6, $0x11;
	s8 =	sadd.s32 @!p0 $0x11B8D, s8;
	_ =	swait.eq @!p0 [sflag:s7], $0x1  }
0xb8: {  	s6 =	sor.u32 @!p0 s6, s8;
	[sflag:s7] =	ssyncadd.s32 @!p0 $0xFFFFFFFF  }
0xb9: {  	s25 =	simm.s32 $0x1B8E;
	s24 =	sld [smem:$0x3FFE];
	[sflag:s6] =	ssyncadd.remote.s32 @!p0 $0x1  }
0xba: {  	s26 =	simm.s32 $execute0_lowered;
	[smem:$0x3FD2] =	sst s25  }
0xbb: {  	s7 =	sshll.u32 s26, $0x1;
	_ =	strace $0x80000049;
	[dreg:$0x1] =	wrdreg $0xFFFFFFFF  }
0xbc: {  	s28 =	simm.s32 $_size_execute0_lowered;
	s5 =	sadd.s32 s5, s7;
	[dreg:$0x0] =	wrdreg $0x0  }
0xbd: {  	s7 =	sshll.u32 s28, $0x1;
	[dreg:$0x2] =	wrdreg s5  }
0xbe: {  	[dreg:$0x3] =	wrdreg s7  }
0xbf: {  	[dreg:$0x4] =	wrdreg $0xC0  }
0xc0: {  	_ =	task [dreg:s22], $0x5FFFF  }
0xc1: {  	[dreg:$0x1] =	wrdreg $0xFFFFFFFF  }
0xc2: {  	[dreg:$0x0] =	wrdreg $0x60  }
0xc3: {  	[dreg:$0x2] =	wrdreg s2  }
0xc4: {  	[dreg:$0x3] =	wrdreg s24  }
0xc5: {  	[dreg:$0x4] =	wrdreg s17  }
0xc6: {  	[dreg:$0x5] =	wrdreg $0x9  }
0xc7: {  	_ =	task.clear_ibuf [dreg:s22], $0x6FFFF;
	_ =	strace $0x90000049  }
0xc8: {  	s29 =	simm.s32 $0x9;
	_ =	strace $0x8000004B  }
0xc9: {  	_ =	swait.ge [sflag:s29], $0x1  }
0xca: {  	[sflag:s29] =	ssyncadd.s32 $0xFFFFFFFF  }
0xcb: {  	_ =	strace $0x9000004B  }
0xcc: {  	_ =	sfence  }
0xcd: {  	s30 =	sld [smem:$0x0];
	_ =	sdelay $0x2  }
0xce: {  	s31 =	sshll.u32 s1, $0xD;
	s1 =	sshrl.u32 s1, $0x2  }
0xcf: {  	s4 =	sand.u32 $0x4000, s31;
	s1 =	sadd.s32 s1, s30  }
0xd0: {  	s0 =	sor.u32 s4, s0;
	s1 =	sshll.u32 s1, $0x11  }
0xd1: {  	s0 =	sor.u32 s1, s0  }
0xd2: {  	s0 =	sadd.s32 $0x8F2B, s0  }
0xd3: {  	[sflag:s0] =	ssyncadd.remote.s32 $0x1  }
0xd4: {  	_ =	sfence.sel $0xFFFF  }
0xd5: {  	[dreg:$0x0] =	wrdreg $0xFFFFFFFF;
	(pc) =	sbr.abs _section_cstart, $3  }
0xd6: {  	[dreg:$0x1] =	wrdreg $0xFFFFFFFF  }
0xd7: {  	_ =	task.clear_ibuf [dreg:s22], $0x2FFFF;
	_ =	strace $0x9FFFFFFF  }
0xd8: {  	(tm) =	ssettm $0x7FFFFFFF  }
0xd9: {  	_ =	shalt  }
tec
execute0_lowered:
.L_overlay_start_1:
0x0: {  	(tag) =	ssettag $0x1  }
0x1: {  	s1 =	rddreg [dreg:$0x0]  }
0x2: {  	s0 =	rddreg [dreg:$0x1];
	s2 =	srdreg.scid  }
0x3: {  	s10 =	stileid.u32;
	s6 =	rddreg [dreg:$0x2];
	s3 =	simm.s32 $0x0  }
0x4: {  	s12 =	simm.s32 $0x9;
	s13 =	simm.s32 $0x80;
	s14 =	simm.s32 $0x1400  }
0x5: {  	s15 =	simm.s32 $0x5400;
	s16 =	simm.s32 $0x1;
	s18 =	simm.s32 $0x9400  }
0x6: {  	s19 =	simm.s32 $0x2;
	s21 =	simm.s32 $0xD400;
	s22 =	simm.s32 $0x3  }
0x7: {  	s23 =	simm.s32 $0x5;
	s24 =	simm.s32 $0x200;
	s25 =	simm.s32 $0x4  }
0x8: {  	s28 =	simm.s32 $0x280;
	s29 =	simm.s32 $0x7;
	s30 =	simm.s32 $0x8  }
0x9: {  	s31 =	simm.s32 $0x0;
	s2 =	sand.u32 $0x1, s2;
	s4 =	sshll.u32 s10, $0x1  }
0xa: {  	[smem:$0x7FF] =	sst s3;
	s10 =	sshll.u32 s10, $0x11;
	s4 =	sor.u32 s2, s4  }
0xb: {  	_ =	strace $0x8000004A;
	s7 =	ssub.s32 $0x2, s2;
	s2 =	sshll.u32 s2, $0x10  }
0xc: {  	s5 =	smul.u32 $0x280, s4;
	s8 =	sshrl.u32 s7, $0x1;
	s26 =	sshll.u32 s4, $0x10  }
.Ltmp0:
0xd: {  	s9 =	sshll.u32 s4, $0xB;
	s7 =	ssub.s32 s7, s8;
	(pc) =	sbr.rel .LBB2_1-.Ltmp0, $4  }
0xe: {  	s6 =	sadd.s32 s6, s9;
	s5 =	sadd.s32 s5, s0;
	s0 =	sadd.s32 $0x211800, s0  }
0xf: {  	s7 =	smax.u32 s7, $0x1;
	s4 =	sadd.s32 $0x20C800, s5;
	s5 =	sadd.s32 s0, s26  }
0x10: {  	s0 =	sadd.s32 s10, s0;
	s26 =	simm.s32 $0x6;
	s8 =	sadd.s32 $0x800, s5  }
0x11: {  	s9 =	sadd.s32 $0x1000, s5;
	s10 =	sadd.s32 $0x1800, s5;
	s11 =	sadd.s32 s2, s0  }
.LBB2_4:
0x12: {  	_ =	swait.ge [sflag:s16], $0x4000  }
0x13: {  	[sflag:s16] =	ssyncset.done $0x0  }
0x14: {  	[sflag:s16] =	ssyncadd.s32 $0xFFFFC000  }
0x15: {  	[hbm4b:s6+s3] =	stream.linear.scatter [tilespmem:s14], [sflag:$0x5], $0x4000, $0x38;
	[tilespmem:$0x11400] =	vst v63  }
0x16: {  	_ =	swait.ge [sflag:s23], $0x4000  }
0x17: {  	[sflag:s23] =	ssyncset.done $0x0  }
0x18: {  	[sflag:s23] =	ssyncadd.s32 $0xFFFFC000  }
0x19: {  	_ =	swait.ge [sflag:s26], $0x4000  }
0x1a: {  	[sflag:s26] =	ssyncset.done $0x0  }
0x1b: {  	s31 =	sadd.s32 $0x1, s31;
	[sflag:s26] =	ssyncadd.s32 $0xFFFFC000  }
0x1c: {  	p0 =	sne.s32 s31, s7;
	_ =	swait.ge [sflag:s29], $0x4000  }
.Ltmp1:
0x1d: {  	[sflag:s29] =	ssyncset.done $0x0;
	(pc) =	sbr.rel @!p0 .LBB2_5-.Ltmp1, $4  }
0x1e: {  	[sflag:s29] =	ssyncadd.s32 $0xFFFFC000  }
0x1f: {  	_ =	swait.ge [sflag:s30], $0x4000  }
0x20: {  	[sflag:s30] =	ssyncset.done $0x0  }
0x21: {  	[sflag:s30] =	ssyncadd.s32 $0xFFFFC000  }
.LBB2_1:
0x22: {  	[tilespmem:s3], [sflag:$0x9] =	stream.linear.gather [hbm4b:s4+s3], $0x1080, $0x38;
	[tilespmem:$0x11400] =	vst v63  }
0x23: {  	_ =	swait.ge [sflag:s12], $0x1080  }
0x24: {  	[sflag:s12] =	ssyncset.done $0x0  }
0x25: {  	[sflag:s12] =	ssyncadd.s32 $0xFFFFEF80  }
0x26: {  	[tilespmem:s14], [sflag:$0x1] =	stream.indirect.gather [hbm4b:s1+s13], $0x80, s3, s13, $0xb8;
	[tilespmem:$0x11400] =	vst v63  }
0x27: {  	_ = 	snop  }
0x28: {  	[tilespmem:s15], [sflag:$0x2] =	stream.indirect.gather [hbm4b:s1+s13], $0x80, s13, s13, $0xb8;
	[tilespmem:$0x11400] =	vst v63  }
0x29: {  	_ =	swait.ge [sflag:s16], $0x4000  }
0x2a: {  	[sflag:s16] =	ssyncset.done $0x0  }
0x2b: {  	[sflag:s16] =	ssyncadd.s32 $0xFFFFC000  }
0x2c: {  	[hbm4b:s5+s3] =	stream.linear.scatter [tilespmem:s14], [sflag:$0x5], $0x4000, $0x38;
	[tilespmem:$0x11400] =	vst v63  }
0x2d: {  	s0 =	simm.s32 $0x100  }
0x2e: {  	[tilespmem:s18], [sflag:$0x3] =	stream.indirect.gather [hbm4b:s1+s13], $0x80, s0, s13, $0xb8;
	[tilespmem:$0x11400] =	vst v63  }
0x2f: {  	_ =	swait.ge [sflag:s19], $0x4000  }
0x30: {  	[sflag:s19] =	ssyncset.done $0x0  }
0x31: {  	[sflag:s19] =	ssyncadd.s32 $0xFFFFC000  }
0x32: {  	[hbm4b:s8+s3] =	stream.linear.scatter [tilespmem:s15], [sflag:$0x6], $0x4000, $0x38;
	[tilespmem:$0x11400] =	vst v63  }
0x33: {  	s20 =	simm.s32 $0x180  }
0x34: {  	[tilespmem:s21], [sflag:$0x4] =	stream.indirect.gather [hbm4b:s1+s13], $0x80, s20, s13, $0xb8;
	[tilespmem:$0x11400] =	vst v63  }
0x35: {  	_ =	swait.ge [sflag:s22], $0x4000  }
0x36: {  	[sflag:s22] =	ssyncset.done $0x0  }
0x37: {  	[sflag:s22] =	ssyncadd.s32 $0xFFFFC000  }
0x38: {  	[hbm4b:s9+s3] =	stream.linear.scatter [tilespmem:s18], [sflag:$0x7], $0x4000, $0x38;
	[tilespmem:$0x11400] =	vst v63  }
0x39: {  	_ =	swait.ge [sflag:s23], $0x4000  }
0x3a: {  	[sflag:s23] =	ssyncset.done $0x0  }
0x3b: {  	[sflag:s23] =	ssyncadd.s32 $0xFFFFC000  }
0x3c: {  	[tilespmem:s14], [sflag:$0x1] =	stream.indirect.gather [hbm4b:s1+s13], $0x80, s24, s13, $0xb8;
	[tilespmem:$0x11400] =	vst v63  }
0x3d: {  	_ =	swait.ge [sflag:s25], $0x4000  }
0x3e: {  	[sflag:s25] =	ssyncset.done $0x0  }
0x3f: {  	[sflag:s25] =	ssyncadd.s32 $0xFFFFC000  }
0x40: {  	[hbm4b:s10+s3] =	stream.linear.scatter [tilespmem:s21], [sflag:$0x8], $0x4000, $0x38;
	[tilespmem:$0x11400] =	vst v63  }
0x41: {  	_ =	swait.ge [sflag:s26], $0x4000  }
0x42: {  	[sflag:s26] =	ssyncset.done $0x0  }
0x43: {  	s2 =	simm.s32 $0x480;
	s0 =	simm.s32 $0x0;
	[sflag:s26] =	ssyncadd.s32 $0xFFFFC000  }
0x44: {  	[tilespmem:s15], [sflag:$0x2] =	stream.indirect.gather [hbm4b:s1+s13], $0x80, s28, s13, $0xb8;
	[tilespmem:$0x11400] =	vst v63  }
.LBB2_2:
0x45: {  	_ =	swait.ge [sflag:s16], $0x4000  }
0x46: {  	s17 =	sadd.s32 s0, s11;
	[sflag:s16] =	ssyncset.done $0x0  }
0x47: {  	s20 =	sadd.s32 $0x2000, s17;
	[sflag:s16] =	ssyncadd.s32 $0xFFFFC000  }
0x48: {  	[hbm4b:s20+s3] =	stream.linear.scatter [tilespmem:s14], [sflag:$0x5], $0x4000, $0x38;
	[tilespmem:$0x11400] =	vst v63  }
0x49: {  	_ =	swait.ge [sflag:s29], $0x4000  }
0x4a: {  	[sflag:s29] =	ssyncset.done $0x0  }
0x4b: {  	s20 =	sadd.s32 $0xFFFFFE80, s2;
	[sflag:s29] =	ssyncadd.s32 $0xFFFFC000  }
0x4c: {  	[tilespmem:s18], [sflag:$0x3] =	stream.indirect.gather [hbm4b:s1+s13], $0x80, s20, s13, $0xb8;
	[tilespmem:$0x11400] =	vst v63  }
0x4d: {  	_ =	swait.ge [sflag:s19], $0x4000  }
0x4e: {  	[sflag:s19] =	ssyncset.done $0x0  }
0x4f: {  	s20 =	sadd.s32 $0x2800, s17;
	[sflag:s19] =	ssyncadd.s32 $0xFFFFC000  }
0x50: {  	[hbm4b:s20+s3] =	stream.linear.scatter [tilespmem:s15], [sflag:$0x6], $0x4000, $0x38;
	[tilespmem:$0x11400] =	vst v63  }
0x51: {  	_ =	swait.ge [sflag:s30], $0x4000  }
0x52: {  	[sflag:s30] =	ssyncset.done $0x0  }
0x53: {  	s20 =	sadd.s32 $0xFFFFFF00, s2;
	[sflag:s30] =	ssyncadd.s32 $0xFFFFC000  }
0x54: {  	[tilespmem:s21], [sflag:$0x4] =	stream.indirect.gather [hbm4b:s1+s13], $0x80, s20, s13, $0xb8;
	[tilespmem:$0x11400] =	vst v63  }
0x55: {  	_ =	swait.ge [sflag:s22], $0x4000  }
0x56: {  	[sflag:s22] =	ssyncset.done $0x0  }
0x57: {  	s20 =	sadd.s32 $0x3000, s17;
	[sflag:s22] =	ssyncadd.s32 $0xFFFFC000  }
0x58: {  	[hbm4b:s20+s3] =	stream.linear.scatter [tilespmem:s18], [sflag:$0x7], $0x4000, $0x38;
	[tilespmem:$0x11400] =	vst v63  }
0x59: {  	_ =	swait.ge [sflag:s23], $0x4000  }
0x5a: {  	[sflag:s23] =	ssyncset.done $0x0  }
0x5b: {  	p0 =	seq.s32 s0, $0xC000;
	s20 =	sadd.s32 $0xFFFFFF80, s2;
	[sflag:s23] =	ssyncadd.s32 $0xFFFFC000  }
0x5c: {  	[tilespmem:s14], [sflag:$0x1] =	stream.indirect.gather [hbm4b:s1+s13], $0x80, s20, s13, $0xb8;
	[tilespmem:$0x11400] =	vst v63  }
.Ltmp2:
0x5d: {  	_ = 	snop;
	(pc) =	sbr.rel @p0 .LBB2_4-.Ltmp2, $4  }
0x5e: {  	_ =	swait.ge [sflag:s25], $0x4000  }
0x5f: {  	[sflag:s25] =	ssyncset.done $0x0  }
0x60: {  	s17 =	sadd.s32 $0x3800, s17;
	[sflag:s25] =	ssyncadd.s32 $0xFFFFC000  }
0x61: {  	[hbm4b:s17+s3] =	stream.linear.scatter [tilespmem:s21], [sflag:$0x8], $0x4000, $0x38;
	[tilespmem:$0x11400] =	vst v63  }
.Ltmp3:
0x62: {  	_ =	swait.ge [sflag:s26], $0x4000;
	(pc) =	sbr.rel .LBB2_2-.Ltmp3, $4  }
0x63: {  	[sflag:s26] =	ssyncset.done $0x0  }
0x64: {  	[sflag:s26] =	ssyncadd.s32 $0xFFFFC000  }
0x65: {  	[tilespmem:s15], [sflag:$0x2] =	stream.indirect.gather [hbm4b:s1+s13], $0x80, s2, s13, $0xb8;
	[tilespmem:$0x11400] =	vst v63  }
0x66: {  	s0 =	sadd.s32 $0x2000, s0;
	s2 =	sadd.s32 $0x200, s2  }
.LBB2_5:
0x67: {  	_ =	sfence.sel $0x180000  }
0x68: {  	[bflag:$0x0] =	sbarrier.arrive $0xFFFF  }
0x69: {  	_ =	strace $0x9000004A  }
0x6a: {  	s0 =	stileid.u32;
	[bflag:$0x2] =	sbarrier.arrive $0xFFFF  }
0x6b: {  	p0 =	sne.s32 s0, $0x0;
	s0 =	rddreg [dreg:$0x3]  }
0x6c: {  	s0 =	sadd.s32 @!p0 $0x100000, s0  }
0x6d: {  	[sflag:s0] =	ssyncadd.tile.s32 @!p0 $0x1;
	_ =	shalt  }
.Lfunc_end2:
_tile_overlayer_lowered:
.L_overlay_start_2:
0x6e: {  	(tag) =	ssettag $0x2  }
0x6f: {  	s0 =	rddreg [dreg:$0x0];
	s2 =	stileid.u32  }
0x70: {  	s1 =	rddreg [dreg:$0x1];
	p0 =	sne.s32 s2, $0x0  }
0x71: {  	s3 =	rddreg [dreg:$0x2];
	[bflag:$0x3] =	sbarrier.arrive $0xFFFF;
	s2 =	simm.s32 @!p0 $0x1C09  }
0x72: {  	[timem:s3], [sflag:s2] =	dma.local @!p0 [hbm:s0], s1  }
0x73: {  	s0 =	simm.s32 @!p0 $0x9  }
0x74: {  	_ =	swait.ge @!p0 [sflag:s0], s1  }
0x75: {  	s1 =	ssub.s32 @!p0 $0x0, s1;
	[sflag:s0] =	ssyncset.done @!p0 $0x0  }
0x76: {  	[sflag:s0] =	ssyncadd.s32 @!p0 s1  }
0x77: {  	[bflag:$0x3] =	sbarrier.arrive $0xFFFF  }
0x78: {  	_ =	shalt  }

// kernel: kernel.9.cloned.1.call-start
scs
__scs_entry_jumppad:
0x0: {  	(pc) =	sbr.rel $0x88, $3  }
0x1: {  	(tag) =	ssettag $0x0;
	lr =	simm.s32 $0x1  }
0x2: {  	[smem:$0x3F90] =	sst lr;
	_ =	strace $0xD0000000  }
0x3: {  	_ = 	snop  }
0x4: {  	_ = 	snop  }
0x5: {  	_ = 	snop  }
0x6: {  	_ = 	snop  }
0x7: {  	_ = 	snop  }
__scs_overlays_trampoline_lowered:
0x8: {  	[smem:$0x3F9F] =	sst s0  }
0x9: {  	[smem:$0x3FA0] =	sst s1  }
0xa: {  	[smem:$0x3FA1] =	sst s2  }
0xb: {  	[smem:$0x3FA2] =	sst s3  }
0xc: {  	[smem:$0x3FA3] =	sst s4  }
0xd: {  	[smem:$0x3FA4] =	sst s5  }
0xe: {  	[smem:$0x3FA5] =	sst s6  }
0xf: {  	[smem:$0x3FA6] =	sst s7  }
0x10: {  	[smem:$0x3FA7] =	sst s8  }
0x11: {  	[smem:$0x3FA8] =	sst s9;
	s0 =	simm.s32 @!p0 $0x0  }
0x12: {  	s1 =	sld [smem:$0x3F8E];
	s0 =	simm.s32 @p0 $0x1  }
0x13: {  	[smem:$0x3FA9] =	sst s0;
	s0 =	simm.s32 @!p1 $0x0  }
0x14: {  	s2 =	sld [smem:$0x3F8D];
	s0 =	simm.s32 @p1 $0x1  }
0x15: {  	[smem:$0x3FAA] =	sst s0;
	s0 =	simm.s32 @!p2 $0x0  }
0x16: {  	s3 =	sld [smem:$0x3FDB];
	s0 =	simm.s32 @p2 $0x1  }
0x17: {  	s4 =	simm.s32 $0x1BF5;
	[smem:$0x3FAC] =	sst s0  }
0x18: {  	s0 =	sld [smem:$0x3F8F];
	_ =	swait.ge [sflag:s4], $0x0  }
0x19: {  	s7 =	sld [smem:$0x3F90]  }
0x1a: {  	s8 =	sadd.s32 $0xFFFFE003, lr  }
0x1b: {  	s9 =	sadd.s32 $0xFFFFFEF7, lr;
	s5 =	simm.s32 $0xFFFFFFFF;
	p2 =	slt.u32 s8, $0xFFFFF086  }
0x1c: {  	p1 =	slt.u32 s9, $0xF7A;
	s5 =	simm.s32 @!p2 $0x0  }
0x1d: {  	s5 =	simm.s32 @p1 $0x1;
	p0 =	seq.s32 s7, s2  }
0x1e: {  	s7 =	smul.u32 @!p0 $0xF7A, s2;
	p2 =	seq.s32 @!p0 s5, $0x0  }
0x1f: {  	s9 =	smul.u32 $0xF7A, s1;
	s8 =	simm.s32 @!p0 $0x1BF5;
	p2 =	por !p2, p0  }
0x20: {  	[sflag:s8] =	ssyncset.s32 @!p0 $0xFFFFF086;
	s6 =	sadd.s32 @!p0 s3, s7;
	s7 =	simm.s32 @!p0 $0x108  }
0x21: {  	s3 =	sadd.s32 s3, s9;
	s6 =	sadd.s32 @!p0 $0x88, s6;
	s7 =	simm.s32 @p2 $0x1082  }
0x22: {  	[simem:s7], [sflag:s8] =	dma.local @!p0 [hbm:s6], $0xF7A  }
0x23: {  	s9 =	sor.u32 $0xD0000000, s2;
	s6 =	simm.s32 $0x108;
	_ =	swait.ge @!p0 [sflag:s8], $0x0  }
0x24: {  	s3 =	sadd.s32 $0x88, s3;
	s6 =	simm.s32 @!p1 $0x1082;
	[sflag:s4] =	ssyncset.s32 $0xFFFFF086  }
0x25: {  	[simem:s6], [sflag:s4] =	dma.local [hbm:s3], $0xF7A  }
0x26: {  	[smem:$0x3F90] =	sst s1;
	(tag) =	ssettag s2;
	_ =	strace s9  }
0x27: {  	s1 =	sld [smem:$0x3FA0]  }
0x28: {  	s2 =	sld [smem:$0x3FA1]  }
0x29: {  	s4 =	sld [smem:$0x3FA3]  }
0x2a: {  	p0 =	seq.s32 s5, $0x0;
	s5 =	sld [smem:$0x3FA4]  }
0x2b: {  	s6 =	sld [smem:$0x3FA5]  }
0x2c: {  	s7 =	sld [smem:$0x3FA6]  }
0x2d: {  	s3 =	simm.s32 $0x108;
	s8 =	sld [smem:$0x3FA7]  }
0x2e: {  	s3 =	simm.s32 @!p0 $0x1082;
	s9 =	sld [smem:$0x3FA8]  }
0x2f: {  	lr =	sadd.s32 s0, s3;
	s0 =	sld [smem:$0x3F9F]  }
0x30: {  	s3 =	sld [smem:$0x3FA2]  }
0x31: {  	[smem:$0x3FAB] =	sst s10  }
0x32: {  	s10 =	sld [smem:$0x3FA9];
	_ =	sdelay $0x3  }
0x33: {  	p0 =	seq.s32 s10, $0x1;
	s10 =	sld [smem:$0x3FAB];
	_ =	sdelay $0x3  }
0x34: {  	[smem:$0x3FAB] =	sst s10  }
0x35: {  	s10 =	sld [smem:$0x3FAA];
	_ =	sdelay $0x3  }
0x36: {  	p1 =	seq.s32 s10, $0x1;
	s10 =	sld [smem:$0x3FAB];
	_ =	sdelay $0x3  }
0x37: {  	[smem:$0x3FAB] =	sst s10  }
0x38: {  	s10 =	sld [smem:$0x3FAC]  }
0x39: {  	_ = 	snop;
	(pc) =	sbr.ind lr, $3  }
0x3a: {  	_ = 	snop  }
0x3b: {  	_ = 	snop  }
0x3c: {  	p2 =	seq.s32 s10, $0x1;
	s10 =	sld [smem:$0x3FAB]  }
0x3d: {  	_ =	shalt  }
0x3e: {  	_ =	shalt  }
0x3f: {  	_ =	shalt  }
0x40: {  	_ =	shalt  }
0x41: {  	_ =	shalt  }
0x42: {  	_ =	shalt  }
0x43: {  	_ =	shalt  }
0x44: {  	_ =	shalt  }
0x45: {  	_ =	shalt  }
0x46: {  	_ =	shalt  }
0x47: {  	_ =	shalt  }
0x48: {  	_ =	shalt  }
0x49: {  	_ =	shalt  }
0x4a: {  	_ =	shalt  }
0x4b: {  	_ =	shalt  }
0x4c: {  	_ =	shalt  }
0x4d: {  	_ =	shalt  }
0x4e: {  	_ =	shalt  }
0x4f: {  	_ =	shalt  }
0x50: {  	_ =	shalt  }
0x51: {  	_ =	shalt  }
0x52: {  	_ =	shalt  }
0x53: {  	_ =	shalt  }
0x54: {  	_ =	shalt  }
0x55: {  	_ =	shalt  }
0x56: {  	_ =	shalt  }
0x57: {  	_ =	shalt  }
0x58: {  	_ =	shalt  }
0x59: {  	_ =	shalt  }
0x5a: {  	_ =	shalt  }
0x5b: {  	_ =	shalt  }
0x5c: {  	_ =	shalt  }
0x5d: {  	_ =	shalt  }
0x5e: {  	_ =	shalt  }
0x5f: {  	_ =	shalt  }
0x60: {  	_ =	shalt  }
0x61: {  	_ =	shalt  }
0x62: {  	_ =	shalt  }
0x63: {  	_ =	shalt  }
0x64: {  	_ =	shalt  }
0x65: {  	_ =	shalt  }
0x66: {  	_ =	shalt  }
0x67: {  	_ =	shalt  }
0x68: {  	_ =	shalt  }
0x69: {  	_ =	shalt  }
0x6a: {  	_ =	shalt  }
0x6b: {  	_ =	shalt  }
0x6c: {  	_ =	shalt  }
0x6d: {  	_ =	shalt  }
0x6e: {  	_ =	shalt  }
0x6f: {  	_ =	shalt  }
0x70: {  	_ =	shalt  }
0x71: {  	_ =	shalt  }
0x72: {  	_ =	shalt  }
0x73: {  	_ =	shalt  }
0x74: {  	_ =	shalt  }
0x75: {  	_ =	shalt  }
0x76: {  	_ =	shalt  }
0x77: {  	_ =	shalt  }
0x78: {  	_ =	shalt  }
0x79: {  	_ =	shalt  }
0x7a: {  	_ =	shalt  }
0x7b: {  	_ =	shalt  }
0x7c: {  	_ =	shalt  }
0x7d: {  	_ =	shalt  }
0x7e: {  	_ =	shalt  }
0x7f: {  	_ =	shalt  }
0x80: {  	_ =	shalt  }
0x81: {  	_ =	shalt  }
0x82: {  	_ =	shalt  }
0x83: {  	_ =	shalt  }
0x84: {  	_ =	shalt  }
0x85: {  	_ =	shalt  }
0x86: {  	_ =	shalt  }
0x87: {  	_ =	shalt  }
.Lfunc_end0:
.L_simem_size_0:
called_computation.1_lowered:
.L_overlay_start_0:
0x88: {  	s2 =	sld [smem:$0x3FD9]  }
0x89: {  	s3 =	sld [smem:$0x3FFE];
	_ =	sdelay $0x1  }
0x8a: {  	s1 =	srdreg.scid  }
0x8b: {  	s0 =	sand.u32 $0x1, s1  }
0x8c: {  	s14 =	sshll.u32 s0, $0xA;
	s2 =	sadd.s32 s3, s2  }
0x8d: {  	s2 =	sadd.s32 s2, s14  }
0x8e: {  	[smem:$0x3FB7] =	sst s2  }
0x8f: {  	_ = 	snop  }
0x90: {  	s2 =	sld [smem:$0x3FD0];
	_ =	sdelay $0x2  }
0x91: {  	s4 =	simm.s32 $0xB;
	s5 =	simm.s32 $0x10;
	s15 =	sld [smem:$0x3FC6]  }
0x92: {  	[smem:s5], [sflag:s4] =	dma.local [hbm:s2], $0x1  }
0x93: {  	_ =	swait.eq [sflag:s4], $0x1  }
0x94: {  	[sflag:s4] =	ssyncset.done $0x0  }
0x95: {  	[sflag:s4] =	ssyncadd.s32 $0xFFFFFFFF  }
0x96: {  	s16 =	sld [smem:$0x11];
	(tm) =	ssettm $0x1  }
0x97: {  	s17 =	sld [smem:$0x3FFB];
	_ =	sdelay $0x3  }
0x98: {  	_ =	strace s17  }
0x99: {  	s4 =	sld [smem:$0x3FFC];
	_ =	sdelay $0x3  }
0x9a: {  	_ =	strace s4  }
0x9b: {  	s4 =	sld [smem:$0x3FFD];
	_ =	sdelay $0x3  }
0x9c: {  	_ =	strace s4  }
0x9d: {  	_ =	strace $0x8FFFFFFF  }
0x9e: {  	s18 =	sld [smem:$0x3FDB];
	_ =	sdelay $0x1  }
0x9f: {  	s19 =	simm.s32 $_scs_section_size  }
0xa0: {  	s6 =	simm.s32 $_size__tile_overlayer_lowered;
	s7 =	simm.s32 $_tile_overlayer_lowered  }
0xa1: {  	s22 =	simm.s32 $0x1BFF;
	s21 =	sshll.u32 s7, $0x1;
	s4 =	sadd.s32 s19, s18  }
0xa2: {  	s8 =	simm.s32 $0x0;
	s20 =	sshll.u32 s6, $0x1;
	s6 =	sadd.s32 s21, s4  }
0xa3: {  	[timem:s8], [sflag:s22] =	dma.local [hbm:s6], s20  }
0xa4: {  	_ =	swait.ge [sflag:s22], s20  }
0xa5: {  	s5 =	ssub.s32 $0x0, s20;
	[sflag:s22] =	ssyncset.done $0x0  }
0xa6: {  	[sflag:s22] =	ssyncadd.s32 s5;
	_ =	sdelay $0x1  }
0xa7: {  	s23 =	simm.s32 $0x1B8B  }
0xa8: {  	_ =	swait.ge [sflag:s23], $0x1  }
0xa9: {  	[sflag:s23] =	ssyncset.done $0x0  }
0xaa: {  	s25 =	simm.s32 $0x1B8E;
	s24 =	sld [smem:$0x3FFE];
	[sflag:s23] =	ssyncadd.s32 $0xFFFFFFFF  }
0xab: {  	s26 =	simm.s32 $execute0_lowered;
	[smem:$0x3FD2] =	sst s25  }
0xac: {  	s6 =	sshll.u32 s26, $0x1;
	_ =	strace $0x80000046;
	[dreg:$0x1] =	wrdreg $0xFFFFFFFF  }
0xad: {  	s28 =	simm.s32 $_size_execute0_lowered;
	s4 =	sadd.s32 s4, s6;
	[dreg:$0x0] =	wrdreg $0x0  }
0xae: {  	s6 =	sshll.u32 s28, $0x1;
	[dreg:$0x2] =	wrdreg s4  }
0xaf: {  	[dreg:$0x3] =	wrdreg s6  }
0xb0: {  	[dreg:$0x4] =	wrdreg $0xC0  }
0xb1: {  	_ =	task [dreg:s8], $0x5FFFF  }
0xb2: {  	[dreg:$0x1] =	wrdreg $0xFFFFFFFF  }
0xb3: {  	[dreg:$0x0] =	wrdreg $0x60  }
0xb4: {  	[dreg:$0x2] =	wrdreg s15  }
0xb5: {  	[dreg:$0x3] =	wrdreg s24  }
0xb6: {  	[dreg:$0x4] =	wrdreg s16  }
0xb7: {  	[dreg:$0x5] =	wrdreg $0xA  }
0xb8: {  	_ =	task.clear_ibuf [dreg:s8], $0x6FFFF;
	_ =	strace $0x90000046  }
0xb9: {  	s29 =	simm.s32 $0xA;
	_ =	strace $0x80000048  }
0xba: {  	_ =	swait.ge [sflag:s29], $0x1  }
0xbb: {  	[sflag:s29] =	ssyncadd.s32 $0xFFFFFFFF  }
0xbc: {  	_ =	strace $0x90000048  }
0xbd: {  	_ =	sfence  }
0xbe: {  	s30 =	sld [smem:$0x0];
	_ =	sdelay $0x2  }
0xbf: {  	s31 =	sshll.u32 s1, $0xD;
	s1 =	sshrl.u32 s1, $0x2  }
0xc0: {  	s3 =	sand.u32 $0x4000, s31;
	s1 =	sadd.s32 s1, s30  }
0xc1: {  	s0 =	sor.u32 s3, s0;
	s1 =	sshll.u32 s1, $0x11  }
0xc2: {  	s0 =	sor.u32 s1, s0  }
0xc3: {  	s0 =	sadd.s32 $0x8F2B, s0  }
0xc4: {  	[sflag:s0] =	ssyncadd.remote.s32 $0x1  }
0xc5: {  	_ =	sfence.sel $0xFFFF  }
0xc6: {  	[dreg:$0x0] =	wrdreg $0xFFFFFFFF;
	(pc) =	sbr.abs _section_cstart, $3  }
0xc7: {  	[dreg:$0x1] =	wrdreg $0xFFFFFFFF  }
0xc8: {  	_ =	task.clear_ibuf [dreg:s8], $0x2FFFF;
	_ =	strace $0x9FFFFFFF  }
0xc9: {  	(tm) =	ssettm $0x7FFFFFFF  }
tec
execute0_lowered:
.L_overlay_start_1:
0x0: {  	(tag) =	ssettag $0x1  }
0x1: {  	s1 =	rddreg [dreg:$0x0]  }
0x2: {  	s0 =	rddreg [dreg:$0x1];
	s2 =	srdreg.scid  }
0x3: {  	s10 =	stileid.u32;
	s6 =	rddreg [dreg:$0x2];
	s3 =	simm.s32 $0x0  }
0x4: {  	s12 =	simm.s32 $0x9;
	s13 =	simm.s32 $0x80;
	s14 =	simm.s32 $0x1400  }
0x5: {  	s15 =	simm.s32 $0x5400;
	s16 =	simm.s32 $0x1;
	s18 =	simm.s32 $0x9400  }
0x6: {  	s19 =	simm.s32 $0x2;
	s21 =	simm.s32 $0xD400;
	s22 =	simm.s32 $0x3  }
0x7: {  	s23 =	simm.s32 $0x5;
	s24 =	simm.s32 $0x200;
	s25 =	simm.s32 $0x4  }
0x8: {  	s28 =	simm.s32 $0x280;
	s29 =	simm.s32 $0x7;
	s30 =	simm.s32 $0x8  }
0x9: {  	s31 =	simm.s32 $0x0;
	s2 =	sand.u32 $0x1, s2;
	s4 =	sshll.u32 s10, $0x1  }
0xa: {  	[smem:$0x7FF] =	sst s3;
	s10 =	sshll.u32 s10, $0x11;
	s4 =	sor.u32 s2, s4  }
0xb: {  	_ =	strace $0x80000047;
	s7 =	ssub.s32 $0x2, s2;
	s2 =	sshll.u32 s2, $0x10  }
0xc: {  	s5 =	smul.u32 $0x280, s4;
	s8 =	sshrl.u32 s7, $0x1;
	s26 =	sshll.u32 s4, $0x10  }
.Ltmp0:
0xd: {  	s9 =	sshll.u32 s4, $0xB;
	s7 =	ssub.s32 s7, s8;
	(pc) =	sbr.rel .LBB2_1-.Ltmp0, $4  }
0xe: {  	s6 =	sadd.s32 s6, s9;
	s5 =	sadd.s32 s5, s0;
	s0 =	sadd.s32 $0xC800, s0  }
0xf: {  	s7 =	smax.u32 s7, $0x1;
	s4 =	sadd.s32 $0x7800, s5;
	s5 =	sadd.s32 s0, s26  }
0x10: {  	s0 =	sadd.s32 s10, s0;
	s26 =	simm.s32 $0x6;
	s8 =	sadd.s32 $0x800, s5  }
0x11: {  	s9 =	sadd.s32 $0x1000, s5;
	s10 =	sadd.s32 $0x1800, s5;
	s11 =	sadd.s32 s2, s0  }
.LBB2_4:
0x12: {  	_ =	swait.ge [sflag:s16], $0x4000  }
0x13: {  	[sflag:s16] =	ssyncset.done $0x0  }
0x14: {  	[sflag:s16] =	ssyncadd.s32 $0xFFFFC000  }
0x15: {  	[hbm4b:s6+s3] =	stream.linear.scatter [tilespmem:s14], [sflag:$0x5], $0x4000, $0x38;
	[tilespmem:$0x11400] =	vst v63  }
0x16: {  	_ =	swait.ge [sflag:s23], $0x4000  }
0x17: {  	[sflag:s23] =	ssyncset.done $0x0  }
0x18: {  	[sflag:s23] =	ssyncadd.s32 $0xFFFFC000  }
0x19: {  	_ =	swait.ge [sflag:s26], $0x4000  }
0x1a: {  	[sflag:s26] =	ssyncset.done $0x0  }
0x1b: {  	s31 =	sadd.s32 $0x1, s31;
	[sflag:s26] =	ssyncadd.s32 $0xFFFFC000  }
0x1c: {  	p0 =	sne.s32 s31, s7;
	_ =	swait.ge [sflag:s29], $0x4000  }
.Ltmp1:
0x1d: {  	[sflag:s29] =	ssyncset.done $0x0;
	(pc) =	sbr.rel @!p0 .LBB2_5-.Ltmp1, $4  }
0x1e: {  	[sflag:s29] =	ssyncadd.s32 $0xFFFFC000  }
0x1f: {  	_ =	swait.ge [sflag:s30], $0x4000  }
0x20: {  	[sflag:s30] =	ssyncset.done $0x0  }
0x21: {  	[sflag:s30] =	ssyncadd.s32 $0xFFFFC000  }
.LBB2_1:
0x22: {  	[tilespmem:s3], [sflag:$0x9] =	stream.linear.gather [hbm4b:s4+s3], $0x1080, $0x38;
	[tilespmem:$0x11400] =	vst v63  }
0x23: {  	_ =	swait.ge [sflag:s12], $0x1080  }
0x24: {  	[sflag:s12] =	ssyncset.done $0x0  }
0x25: {  	[sflag:s12] =	ssyncadd.s32 $0xFFFFEF80  }
0x26: {  	[tilespmem:s14], [sflag:$0x1] =	stream.indirect.gather [hbm4b:s1+s13], $0x80, s3, s13, $0xb8;
	[tilespmem:$0x11400] =	vst v63  }
0x27: {  	_ = 	snop  }
0x28: {  	[tilespmem:s15], [sflag:$0x2] =	stream.indirect.gather [hbm4b:s1+s13], $0x80, s13, s13, $0xb8;
	[tilespmem:$0x11400] =	vst v63  }
0x29: {  	_ =	swait.ge [sflag:s16], $0x4000  }
0x2a: {  	[sflag:s16] =	ssyncset.done $0x0  }
0x2b: {  	[sflag:s16] =	ssyncadd.s32 $0xFFFFC000  }
0x2c: {  	[hbm4b:s5+s3] =	stream.linear.scatter [tilespmem:s14], [sflag:$0x5], $0x4000, $0x38;
	[tilespmem:$0x11400] =	vst v63  }
0x2d: {  	s0 =	simm.s32 $0x100  }
0x2e: {  	[tilespmem:s18], [sflag:$0x3] =	stream.indirect.gather [hbm4b:s1+s13], $0x80, s0, s13, $0xb8;
	[tilespmem:$0x11400] =	vst v63  }
0x2f: {  	_ =	swait.ge [sflag:s19], $0x4000  }
0x30: {  	[sflag:s19] =	ssyncset.done $0x0  }
0x31: {  	[sflag:s19] =	ssyncadd.s32 $0xFFFFC000  }
0x32: {  	[hbm4b:s8+s3] =	stream.linear.scatter [tilespmem:s15], [sflag:$0x6], $0x4000, $0x38;
	[tilespmem:$0x11400] =	vst v63  }
0x33: {  	s20 =	simm.s32 $0x180  }
0x34: {  	[tilespmem:s21], [sflag:$0x4] =	stream.indirect.gather [hbm4b:s1+s13], $0x80, s20, s13, $0xb8;
	[tilespmem:$0x11400] =	vst v63  }
0x35: {  	_ =	swait.ge [sflag:s22], $0x4000  }
0x36: {  	[sflag:s22] =	ssyncset.done $0x0  }
0x37: {  	[sflag:s22] =	ssyncadd.s32 $0xFFFFC000  }
0x38: {  	[hbm4b:s9+s3] =	stream.linear.scatter [tilespmem:s18], [sflag:$0x7], $0x4000, $0x38;
	[tilespmem:$0x11400] =	vst v63  }
0x39: {  	_ =	swait.ge [sflag:s23], $0x4000  }
0x3a: {  	[sflag:s23] =	ssyncset.done $0x0  }
0x3b: {  	[sflag:s23] =	ssyncadd.s32 $0xFFFFC000  }
0x3c: {  	[tilespmem:s14], [sflag:$0x1] =	stream.indirect.gather [hbm4b:s1+s13], $0x80, s24, s13, $0xb8;
	[tilespmem:$0x11400] =	vst v63  }
0x3d: {  	_ =	swait.ge [sflag:s25], $0x4000  }
0x3e: {  	[sflag:s25] =	ssyncset.done $0x0  }
0x3f: {  	[sflag:s25] =	ssyncadd.s32 $0xFFFFC000  }
0x40: {  	[hbm4b:s10+s3] =	stream.linear.scatter [tilespmem:s21], [sflag:$0x8], $0x4000, $0x38;
	[tilespmem:$0x11400] =	vst v63  }
0x41: {  	_ =	swait.ge [sflag:s26], $0x4000  }
0x42: {  	[sflag:s26] =	ssyncset.done $0x0  }
0x43: {  	s2 =	simm.s32 $0x480;
	s0 =	simm.s32 $0x0;
	[sflag:s26] =	ssyncadd.s32 $0xFFFFC000  }
0x44: {  	[tilespmem:s15], [sflag:$0x2] =	stream.indirect.gather [hbm4b:s1+s13], $0x80, s28, s13, $0xb8;
	[tilespmem:$0x11400] =	vst v63  }
.LBB2_2:
0x45: {  	_ =	swait.ge [sflag:s16], $0x4000  }
0x46: {  	s17 =	sadd.s32 s0, s11;
	[sflag:s16] =	ssyncset.done $0x0  }
0x47: {  	s20 =	sadd.s32 $0x2000, s17;
	[sflag:s16] =	ssyncadd.s32 $0xFFFFC000  }
0x48: {  	[hbm4b:s20+s3] =	stream.linear.scatter [tilespmem:s14], [sflag:$0x5], $0x4000, $0x38;
	[tilespmem:$0x11400] =	vst v63  }
0x49: {  	_ =	swait.ge [sflag:s29], $0x4000  }
0x4a: {  	[sflag:s29] =	ssyncset.done $0x0  }
0x4b: {  	s20 =	sadd.s32 $0xFFFFFE80, s2;
	[sflag:s29] =	ssyncadd.s32 $0xFFFFC000  }
0x4c: {  	[tilespmem:s18], [sflag:$0x3] =	stream.indirect.gather [hbm4b:s1+s13], $0x80, s20, s13, $0xb8;
	[tilespmem:$0x11400] =	vst v63  }
0x4d: {  	_ =	swait.ge [sflag:s19], $0x4000  }
0x4e: {  	[sflag:s19] =	ssyncset.done $0x0  }
0x4f: {  	s20 =	sadd.s32 $0x2800, s17;
	[sflag:s19] =	ssyncadd.s32 $0xFFFFC000  }
0x50: {  	[hbm4b:s20+s3] =	stream.linear.scatter [tilespmem:s15], [sflag:$0x6], $0x4000, $0x38;
	[tilespmem:$0x11400] =	vst v63  }
0x51: {  	_ =	swait.ge [sflag:s30], $0x4000  }
0x52: {  	[sflag:s30] =	ssyncset.done $0x0  }
0x53: {  	s20 =	sadd.s32 $0xFFFFFF00, s2;
	[sflag:s30] =	ssyncadd.s32 $0xFFFFC000  }
0x54: {  	[tilespmem:s21], [sflag:$0x4] =	stream.indirect.gather [hbm4b:s1+s13], $0x80, s20, s13, $0xb8;
	[tilespmem:$0x11400] =	vst v63  }
0x55: {  	_ =	swait.ge [sflag:s22], $0x4000  }
0x56: {  	[sflag:s22] =	ssyncset.done $0x0  }
0x57: {  	s20 =	sadd.s32 $0x3000, s17;
	[sflag:s22] =	ssyncadd.s32 $0xFFFFC000  }
0x58: {  	[hbm4b:s20+s3] =	stream.linear.scatter [tilespmem:s18], [sflag:$0x7], $0x4000, $0x38;
	[tilespmem:$0x11400] =	vst v63  }
0x59: {  	_ =	swait.ge [sflag:s23], $0x4000  }
0x5a: {  	[sflag:s23] =	ssyncset.done $0x0  }
0x5b: {  	p0 =	seq.s32 s0, $0xC000;
	s20 =	sadd.s32 $0xFFFFFF80, s2;
	[sflag:s23] =	ssyncadd.s32 $0xFFFFC000  }
0x5c: {  	[tilespmem:s14], [sflag:$0x1] =	stream.indirect.gather [hbm4b:s1+s13], $0x80, s20, s13, $0xb8;
	[tilespmem:$0x11400] =	vst v63  }
.Ltmp2:
0x5d: {  	_ = 	snop;
	(pc) =	sbr.rel @p0 .LBB2_4-.Ltmp2, $4  }
0x5e: {  	_ =	swait.ge [sflag:s25], $0x4000  }
0x5f: {  	[sflag:s25] =	ssyncset.done $0x0  }
0x60: {  	s17 =	sadd.s32 $0x3800, s17;
	[sflag:s25] =	ssyncadd.s32 $0xFFFFC000  }
0x61: {  	[hbm4b:s17+s3] =	stream.linear.scatter [tilespmem:s21], [sflag:$0x8], $0x4000, $0x38;
	[tilespmem:$0x11400] =	vst v63  }
.Ltmp3:
0x62: {  	_ =	swait.ge [sflag:s26], $0x4000;
	(pc) =	sbr.rel .LBB2_2-.Ltmp3, $4  }
0x63: {  	[sflag:s26] =	ssyncset.done $0x0  }
0x64: {  	[sflag:s26] =	ssyncadd.s32 $0xFFFFC000  }
0x65: {  	[tilespmem:s15], [sflag:$0x2] =	stream.indirect.gather [hbm4b:s1+s13], $0x80, s2, s13, $0xb8;
	[tilespmem:$0x11400] =	vst v63  }
0x66: {  	s0 =	sadd.s32 $0x2000, s0;
	s2 =	sadd.s32 $0x200, s2  }
.LBB2_5:
0x67: {  	_ =	sfence.sel $0x180000  }
0x68: {  	[bflag:$0x0] =	sbarrier.arrive $0xFFFF  }
0x69: {  	_ =	strace $0x90000047  }
0x6a: {  	s0 =	stileid.u32;
	[bflag:$0x2] =	sbarrier.arrive $0xFFFF  }
0x6b: {  	p0 =	sne.s32 s0, $0x0;
	s0 =	rddreg [dreg:$0x3]  }
0x6c: {  	s0 =	sadd.s32 @!p0 $0x100000, s0  }
0x6d: {  	[sflag:s0] =	ssyncadd.tile.s32 @!p0 $0x1;
	_ =	shalt  }
.Lfunc_end2:
_tile_overlayer_lowered:
.L_overlay_start_2:
0x6e: {  	(tag) =	ssettag $0x2  }
0x6f: {  	s0 =	rddreg [dreg:$0x0];
	s2 =	stileid.u32  }
0x70: {  	s1 =	rddreg [dreg:$0x1];
	p0 =	sne.s32 s2, $0x0  }
0x71: {  	s3 =	rddreg [dreg:$0x2];
	[bflag:$0x3] =	sbarrier.arrive $0xFFFF;
	s2 =	simm.s32 @!p0 $0x1C09  }
0x72: {  	[timem:s3], [sflag:s2] =	dma.local @!p0 [hbm:s0], s1  }
0x73: {  	s0 =	simm.s32 @!p0 $0x9  }
0x74: {  	_ =	swait.ge @!p0 [sflag:s0], s1  }
0x75: {  	s1 =	ssub.s32 @!p0 $0x0, s1;
	[sflag:s0] =	ssyncset.done @!p0 $0x0  }
0x76: {  	[sflag:s0] =	ssyncadd.s32 @!p0 s1  }
0x77: {  	[bflag:$0x3] =	sbarrier.arrive $0xFFFF  }
0x78: {  	_ =	shalt  }

</sc_bundles>
